<compile_context>
chip_gen: v7x
topology: tpu7x:2x2x1
jax: 0.10.2.dev20260603
libtpu: 0.0.44.dev20260713+nightly
codegen_flags: <defaults>
</compile_context>

<pallas_src>
import functools

import jax
import jax.numpy as jnp
from jax.experimental import pallas as pl
from jax.experimental.pallas import tpu as pltpu
from jax.experimental.pallas import tpu_sc as plsc

_B = 1024
_N = 1024
_D = 64
_S = 8
_COMMIT = 0.25


def _argmin_body(z_ref, cb_ref, idx_ref, loss_ref):
    i = pl.program_id(0)
    xt = z_ref[0]
    cb = cb_ref[...]
    cbm2 = -2.0 * cb
    csq = jnp.sum(cb * cb, axis=1, keepdims=True)
    zc2 = jnp.dot(cbm2, xt, preferred_element_type=jnp.float32)
    w = jnp.sum(xt * xt, axis=0, keepdims=True)
    wb = jnp.broadcast_to(w, (_S, _B))
    si = jax.lax.broadcasted_iota(jnp.int32, (_S, _B), 0)
    ch = 4
    per = (_N // _S) // ch
    items = []
    for c in range(ch):
        v = ixv = None
        for k in range(c * per, (c + 1) * per):
            sl = slice(k * _S, (k + 1) * _S)
            dk = (wb + csq[sl, :]) + zc2[sl, :]
            ik = si + (k * _S)
            if v is None:
                v, ixv = dk, ik
            else:
                m = v <= dk
                v = jnp.where(m, v, dk)
                ixv = jnp.where(m, ixv, ik)
        items.append((v, ixv))
    while len(items) > 1:
        nxt = []
        for j in range(0, len(items), 2):
            va, ia = items[j]
            vb, ib = items[j + 1]
            m = va <= vb
            nxt.append((jnp.where(m, va, vb), jnp.where(m, ia, ib)))
        items = nxt
    v, ix = items[0]
    dmin = jnp.min(v, axis=0, keepdims=True)
    idx = jnp.min(jnp.where(v == dmin, ix, _N), axis=0, keepdims=True)
    idx_ref[0] = idx
    part = jnp.sum(dmin, axis=1, keepdims=True)

    @pl.when(i == 0)
    def _():
        loss_ref[...] = jnp.zeros_like(loss_ref)

    loss_ref[...] += part


def _sc_gather(table, idx):
    info = plsc.get_sparse_core_info()
    nc, ns = info.num_cores, info.num_subcores
    nw = nc * ns
    n = idx.shape[0]
    d = table.shape[1]
    bpw = n // nw
    mesh = plsc.VectorSubcoreMesh(core_axis_name="c", subcore_axis_name="s")

    @functools.partial(
        pl.kernel, mesh=mesh,
        out_type=jax.ShapeDtypeStruct((n, d), jnp.float32),
        scratch_types=[
            pltpu.VMEM((bpw,), jnp.int32),
            pltpu.VMEM((bpw, d), jnp.float32),
            pltpu.SemaphoreType.DMA,
        ],
    )
    def gather(table_hbm, idx_hbm, out_hbm, idx_v, rows_v, sem):
        wid = jax.lax.axis_index("s") * nc + jax.lax.axis_index("c")
        base = wid * bpw
        pltpu.sync_copy(idx_hbm.at[pl.ds(base, bpw)], idx_v)
        pltpu.async_copy(table_hbm.at[idx_v], rows_v, sem).wait()
        pltpu.sync_copy(rows_v, out_hbm.at[pl.ds(base, bpw)])

    return gather(table, idx)


def _st_body(z_ref, q_ref, qst_ref):
    xt = z_ref[0]
    qt = jnp.transpose(q_ref[...][:, :_D])
    qst_ref[0] = xt + (qt - xt)


def kernel(z, codebook):
    b, dim, t = z.shape
    n = b * t
    tpb = t // _B
    idx3, lacc = pl.pallas_call(
        _argmin_body,
        grid=(n // _B,),
        in_specs=[
            pl.BlockSpec((1, dim, _B), lambda i: (i // tpb, 0, i % tpb)),
            pl.BlockSpec((_N, dim), lambda i: (0, 0)),
        ],
        out_specs=[
            pl.BlockSpec((1, 1, _B), lambda i: (i // tpb, 0, i % tpb)),
            pl.BlockSpec((1, 1), lambda i: (0, 0)),
        ],
        out_shape=[
            jax.ShapeDtypeStruct((b, 1, t), jnp.int32),
            jax.ShapeDtypeStruct((1, 1), jnp.float32),
        ],
    )(z, codebook)
    idxf = idx3.reshape(n)
    cb128 = jnp.pad(codebook, ((0, 0), (0, 128 - dim)))
    qf = _sc_gather(cb128, idxf)
    qst = pl.pallas_call(
        _st_body,
        grid=(n // _B,),
        in_specs=[
            pl.BlockSpec((1, dim, _B), lambda i: (i // tpb, 0, i % tpb)),
            pl.BlockSpec((_B, 128), lambda i: (i, 0)),
        ],
        out_specs=pl.BlockSpec((1, dim, _B), lambda i: (i // tpb, 0, i % tpb)),
        out_shape=jax.ShapeDtypeStruct((b, dim, t), jnp.float32),
    )(z, qf)
    ls = lacc[0, 0] / (b * dim * t)
    loss = ls + _COMMIT * ls
    return (qst, loss, idxf.reshape(n, 1))

# --- scband reference (transcript-rebuilt; emitter-appended) ---
"""Pipeline reference for scband-vqembedding-24146306138336 (READ-ONLY COPY).

The authoritative reference and input builder live on the scoring server;
editing this copy changes nothing except your own understanding.
"""

import jax, jax.numpy as jnp
import numpy as np

NUM_EMBEDDINGS = 1024
EMBEDDING_DIM = 64
COMMITMENT_COST = 0.25


def setup_inputs(seed: int = 0) -> dict:
    key = jax.random.key(seed)
    k1, k2 = jax.random.split(key)
    z = jax.random.normal(k1, (16, EMBEDDING_DIM, 1024), dtype=jnp.float32)
    # embedding.weight initialized uniform(-1/K, 1/K) as in the torch module
    codebook = jax.random.uniform(
        k2, (NUM_EMBEDDINGS, EMBEDDING_DIM), dtype=jnp.float32,
        minval=-1.0 / NUM_EMBEDDINGS, maxval=1.0 / NUM_EMBEDDINGS)
    return {"z": z, "codebook": codebook}


def reference(z, codebook):
    b, feat_dim, t = z.shape
    z_flattened = jnp.transpose(z, (0, 2, 1)).reshape(-1, feat_dim)
    distances = (jnp.sum(z_flattened ** 2, axis=1, keepdims=True)
                 + jnp.sum(codebook ** 2, axis=1)
                 - 2.0 * jnp.matmul(z_flattened, codebook.T))
    encoding_indices = jnp.argmin(distances, axis=1)[:, None]
    n = z_flattened.shape[0]
    encodings = jnp.zeros((n, NUM_EMBEDDINGS), dtype=z.dtype)
    encodings = encodings.at[jnp.arange(n), encoding_indices[:, 0]].set(1.0)
    quantized = jnp.matmul(encodings, codebook)
    quantized = jnp.transpose(quantized.reshape(b, t, feat_dim), (0, 2, 1))
    e_latent_loss = jnp.mean((jax.lax.stop_gradient(quantized) - z) ** 2)
    q_latent_loss = jnp.mean((quantized - jax.lax.stop_gradient(z)) ** 2)
    loss = q_latent_loss + COMMITMENT_COST * e_latent_loss
    quantized_st = z + jax.lax.stop_gradient(quantized - z)
    return (quantized_st, loss, encoding_indices)

if __name__ == "__main__":
    import jax
    _d = setup_inputs()
    print(jax.jit(kernel)(*tuple(_d.values())))

</pallas_src>

<mosaic_0001>
#map = affine_map<(d0, d1) -> (0, 0)>
#map1 = affine_map<(d0, d1) -> (0)>
module attributes {stable_mosaic.version = 14 : i64} {
  func.func @gather(%arg0: i32, %arg1: i32, %arg2: memref<1024x128xf32, #tpu.memory_space<hbm>>, %arg3: memref<16384xi32, #tpu.memory_space<hbm>>, %arg4: memref<16384x128xf32, #tpu.memory_space<hbm>>, %arg5: memref<512xi32, #tpu.memory_space<vmem>>, %arg6: memref<512x128xf32, #tpu.memory_space<vmem>>, %arg7: memref<!tpu.dma_semaphore, #tpu.memory_space<semaphore_mem>>) attributes {dimension_semantics = [#tpu.dimension_semantics<core_parallel>, #tpu.dimension_semantics<subcore_parallel>], iteration_bounds = array<i64: 2, 16>, scalar_prefetch = 0 : i64, scratch_operands = 3 : i64, tpu.core_type = #tpu.core_type<sc_vector_subcore>, window_params = [{transform_indices = #map}, {transform_indices = #map1}, {transform_indices = #map}]} {
    %mul3A = arith.constant 2 : i32
    %mul3A_0 = arith.muli %arg1, %mul3A : i32
    %add3A = arith.addi %mul3A_0, %arg0 : i32
    %mul3A_1 = arith.constant 512 : i32
    %mul3A_2 = arith.muli %add3A, %mul3A_1 : i32
    "tpu.region"() ({
      %run_scoped3A = tpu.sem_alloc : memref<!tpu.dma_semaphore, #tpu.memory_space<semaphore_mem>>
      %dma_start3A_7 = tpu.memref_slice %arg3[%mul3A_2] : memref<16384xi32, #tpu.memory_space<hbm>> -> memref<512xi32, #tpu.memory_space<hbm>>
      %dma_start3A_8 = tpu.memref_slice %arg3[%mul3A_2] : memref<16384xi32, #tpu.memory_space<hbm>> -> memref<512xi32, #tpu.memory_space<hbm>>
      tpu.enqueue_dma source(%dma_start3A_8 : memref<512xi32, #tpu.memory_space<hbm>>) target(%arg5 : memref<512xi32, #tpu.memory_space<vmem>>) target_semaphore(%run_scoped3A : memref<!tpu.dma_semaphore, #tpu.memory_space<semaphore_mem>>)
      %dma_wait3A_9 = tpu.memref_slice %arg3[%mul3A_2] : memref<16384xi32, #tpu.memory_space<hbm>> -> memref<512xi32, #tpu.memory_space<hbm>>
      %dma_wait3A_10 = tpu.memref_slice %arg3[%mul3A_2] : memref<16384xi32, #tpu.memory_space<hbm>> -> memref<512xi32, #tpu.memory_space<hbm>>
      tpu.wait_dma2 semaphore(%run_scoped3A : memref<!tpu.dma_semaphore, #tpu.memory_space<semaphore_mem>>) src(%dma_wait3A_10 : memref<512xi32, #tpu.memory_space<hbm>>) dst(%arg5 : memref<512xi32, #tpu.memory_space<vmem>>)
      tpu.yield
    }) : () -> ()
    %dma_start3A = arith.constant 0 : i32
    %dma_start3A_3 = arith.constant 0 : i32
    %dma_start3A_4 = tpu.memref_slice %arg2[%dma_start3A, %dma_start3A_3] : memref<1024x128xf32, #tpu.memory_space<hbm>> -> memref<1024x128xf32, #tpu.memory_space<hbm>>
    tpu.enqueue_indirect_dma source(%dma_start3A_4 : memref<1024x128xf32, #tpu.memory_space<hbm>>) target(%arg6 : memref<512x128xf32, #tpu.memory_space<vmem>>) offsets(%arg5 : memref<512xi32, #tpu.memory_space<vmem>>) semaphore(%arg7 : memref<!tpu.dma_semaphore, #tpu.memory_space<semaphore_mem>>)
    %dma_wait3A = arith.constant 0 : i32
    %dma_wait3A_5 = arith.constant 0 : i32
    %dma_wait3A_6 = tpu.memref_slice %arg2[%dma_wait3A, %dma_wait3A_5] : memref<1024x128xf32, #tpu.memory_space<hbm>> -> memref<1024x128xf32, #tpu.memory_space<hbm>>
    tpu.wait_indirect_dma semaphore(%arg7 : memref<!tpu.dma_semaphore, #tpu.memory_space<semaphore_mem>>) src(%dma_wait3A_6 : memref<1024x128xf32, #tpu.memory_space<hbm>>) dst(%arg6 : memref<512x128xf32, #tpu.memory_space<vmem>>)
    "tpu.region"() ({
      %run_scoped3A = tpu.sem_alloc : memref<!tpu.dma_semaphore, #tpu.memory_space<semaphore_mem>>
      %dma_start3A_7 = arith.constant 0 : i32
      %dma_start3A_8 = tpu.memref_slice %arg4[%mul3A_2, %dma_start3A_7] : memref<16384x128xf32, #tpu.memory_space<hbm>> -> memref<512x128xf32, #tpu.memory_space<hbm>>
      %dma_start3A_9 = arith.constant 0 : i32
      %dma_start3A_10 = tpu.memref_slice %arg4[%mul3A_2, %dma_start3A_9] : memref<16384x128xf32, #tpu.memory_space<hbm>> -> memref<512x128xf32, #tpu.memory_space<hbm>>
      tpu.enqueue_dma source(%arg6 : memref<512x128xf32, #tpu.memory_space<vmem>>) target(%dma_start3A_10 : memref<512x128xf32, #tpu.memory_space<hbm>>) target_semaphore(%run_scoped3A : memref<!tpu.dma_semaphore, #tpu.memory_space<semaphore_mem>>)
      %dma_wait3A_11 = arith.constant 0 : i32
      %dma_wait3A_12 = tpu.memref_slice %arg4[%mul3A_2, %dma_wait3A_11] : memref<16384x128xf32, #tpu.memory_space<hbm>> -> memref<512x128xf32, #tpu.memory_space<hbm>>
      %dma_wait3A_13 = arith.constant 0 : i32
      %dma_wait3A_14 = tpu.memref_slice %arg4[%mul3A_2, %dma_wait3A_13] : memref<16384x128xf32, #tpu.memory_space<hbm>> -> memref<512x128xf32, #tpu.memory_space<hbm>>
      tpu.wait_dma2 semaphore(%run_scoped3A : memref<!tpu.dma_semaphore, #tpu.memory_space<semaphore_mem>>) src(%arg6 : memref<512x128xf32, #tpu.memory_space<vmem>>) dst(%dma_wait3A_14 : memref<512x128xf32, #tpu.memory_space<hbm>>)
      tpu.yield
    }) : () -> ()
    return
  }
}

module attributes {stable_mosaic.version = 14 : i64} {
  func.func @_st_body(%arg0: i32, %arg1: memref<1x64x1024xf32, #tpu.memory_space<vmem>>, %arg2: memref<1024x128xf32, #tpu.memory_space<vmem>>, %arg3: memref<1x64x1024xf32, #tpu.memory_space<vmem>>) attributes {dimension_semantics = [#tpu.dimension_semantics<arbitrary>], iteration_bounds = array<i64: 16>, scalar_prefetch = 0 : i64, scratch_operands = 0 : i64, tpu.core_type = #tpu.core_type<tc>, window_params = [{transform_indices = @transform_0, window_bounds = array<i64: 1, 64, 1024>}, {transform_indices = @transform_1, window_bounds = array<i64: 1024, 128>}, {transform_indices = @transform_2, window_bounds = array<i64: 1, 64, 1024>}]} {
    %get3A = arith.constant 0 : index
    %get3A_0 = arith.constant 0 : index
    %get3A_1 = arith.constant 0 : index
    %get3A_2 = vector.load %arg1[%get3A, %get3A_0, %get3A_1] : memref<1x64x1024xf32, #tpu.memory_space<vmem>>, vector<1x64x1024xf32>
    %get3A_3 = vector.shape_cast %get3A_2 : vector<1x64x1024xf32> to vector<64x1024xf32>
    %get3A_4 = arith.constant 0 : index
    %get3A_5 = arith.constant 0 : index
    %get3A_6 = vector.load %arg2[%get3A_4, %get3A_5] : memref<1024x128xf32, #tpu.memory_space<vmem>>, vector<1024x128xf32>
    %slice3A = vector.extract_strided_slice %get3A_6 {offsets = [0, 0], sizes = [1024, 64], strides = [1, 1]} : vector<1024x128xf32> to vector<1024x64xf32>
    %transpose3A = tpu.transpose %slice3A, [1, 0] : vector<1024x64xf32> -> vector<64x1024xf32>
    %sub3A = arith.subf %transpose3A, %get3A_3 : vector<64x1024xf32>
    %add3A = arith.addf %get3A_3, %sub3A : vector<64x1024xf32>
    %swap3A = arith.constant 0 : index
    %swap3A_7 = arith.constant 0 : index
    %swap3A_8 = arith.constant 0 : index
    %swap3A_9 = vector.load %arg3[%swap3A, %swap3A_7, %swap3A_8] : memref<1x64x1024xf32, #tpu.memory_space<vmem>>, vector<1x64x1024xf32>
    %swap3A_10 = vector.shape_cast %swap3A_9 : vector<1x64x1024xf32> to vector<64x1024xf32>
    %swap3A_11 = vector.shape_cast %add3A : vector<64x1024xf32> to vector<1x64x1024xf32>
    tpu.vector_store %arg3[%swap3A, %swap3A_7, %swap3A_8], %swap3A_11 {strides = array<i32>} : memref<1x64x1024xf32, #tpu.memory_space<vmem>>, vector<1x64x1024xf32>,
    return
  }
  func.func @transform_0(%arg0: i32) -> (i32, i32, i32) {
    %jit3A = arith.constant 1 : i32
    %div3A = arith.divsi %arg0, %jit3A : i32
    %sign3A = arith.constant 0 : i32
    %sign3A_0 = arith.cmpi sgt, %arg0, %sign3A : i32
    %sign3A_1 = arith.extui %sign3A_0 : i1 to i32
    %sign3A_2 = arith.constant 0 : i32
    %sign3A_3 = arith.cmpi slt, %arg0, %sign3A_2 : i32
    %sign3A_4 = arith.extui %sign3A_3 : i1 to i32
    %sign3A_5 = arith.subi %sign3A_1, %sign3A_4 : i32
    %sign3A_6 = arith.constant 0 : i32
    %sign3A_7 = arith.cmpi sgt, %jit3A, %sign3A_6 : i32
    %sign3A_8 = arith.extui %sign3A_7 : i1 to i32
    %sign3A_9 = arith.constant 0 : i32
    %sign3A_10 = arith.cmpi slt, %jit3A, %sign3A_9 : i32
    %sign3A_11 = arith.extui %sign3A_10 : i1 to i32
    %sign3A_12 = arith.subi %sign3A_8, %sign3A_11 : i32
    %ne3A = arith.cmpi ne, %sign3A_5, %sign3A_12 : i32
    %rem3A = arith.remsi %arg0, %jit3A : i32
    %ne3A_13 = arith.constant 0 : i32
    %ne3A_14 = arith.cmpi ne, %rem3A, %ne3A_13 : i32
    %and3A = arith.andi %ne3A, %ne3A_14 : i1
    %sub3A = arith.constant 1 : i32
    %sub3A_15 = arith.subi %div3A, %sub3A : i32
    %select_n3A = arith.select %and3A, %sub3A_15, %div3A : i32
    %jit3A_16 = arith.constant 1 : i32
    %eq3A = arith.constant 0 : i32
    %eq3A_17 = arith.cmpi eq, %jit3A_16, %eq3A : i32
    %jit3A_18 = arith.constant 1 : i32
    %select_n3A_19 = arith.select %eq3A_17, %jit3A_18, %jit3A_16 : i32
    %rem3A_20 = arith.remsi %arg0, %select_n3A_19 : i32
    %ne3A_21 = arith.constant 0 : i32
    %ne3A_22 = arith.cmpi ne, %rem3A_20, %ne3A_21 : i32
    %lt3A = arith.constant 0 : i32
    %lt3A_23 = arith.cmpi slt, %rem3A_20, %lt3A : i32
    %lt3A_24 = arith.constant 0 : i32
    %lt3A_25 = arith.cmpi slt, %select_n3A_19, %lt3A_24 : i32
    %ne3A_26 = arith.xori %lt3A_23, %lt3A_25 : i1
    %and3A_27 = arith.andi %ne3A_26, %ne3A_22 : i1
    %add3A = arith.addi %rem3A_20, %select_n3A_19 : i32
    %select_n3A_28 = arith.select %and3A_27, %add3A, %rem3A_20 : i32
    %c0_i32 = arith.constant 0 : i32
    %c0_i32_29 = arith.constant 0 : i32
    return %select_n3A, %c0_i32, %select_n3A_28 : i32, i32, i32
  }
  func.func @transform_1(%arg0: i32) -> (i32, i32) {
    %c0_i32 = arith.constant 0 : i32
    %c0_i32_0 = arith.constant 0 : i32
    return %arg0, %c0_i32 : i32, i32
  }
  func.func @transform_2(%arg0: i32) -> (i32, i32, i32) {
    %jit3A = arith.constant 1 : i32
    %div3A = arith.divsi %arg0, %jit3A : i32
    %sign3A = arith.constant 0 : i32
    %sign3A_0 = arith.cmpi sgt, %arg0, %sign3A : i32
    %sign3A_1 = arith.extui %sign3A_0 : i1 to i32
    %sign3A_2 = arith.constant 0 : i32
    %sign3A_3 = arith.cmpi slt, %arg0, %sign3A_2 : i32
    %sign3A_4 = arith.extui %sign3A_3 : i1 to i32
    %sign3A_5 = arith.subi %sign3A_1, %sign3A_4 : i32
    %sign3A_6 = arith.constant 0 : i32
    %sign3A_7 = arith.cmpi sgt, %jit3A, %sign3A_6 : i32
    %sign3A_8 = arith.extui %sign3A_7 : i1 to i32
    %sign3A_9 = arith.constant 0 : i32
    %sign3A_10 = arith.cmpi slt, %jit3A, %sign3A_9 : i32
    %sign3A_11 = arith.extui %sign3A_10 : i1 to i32
    %sign3A_12 = arith.subi %sign3A_8, %sign3A_11 : i32
    %ne3A = arith.cmpi ne, %sign3A_5, %sign3A_12 : i32
    %rem3A = arith.remsi %arg0, %jit3A : i32
    %ne3A_13 = arith.constant 0 : i32
    %ne3A_14 = arith.cmpi ne, %rem3A, %ne3A_13 : i32
    %and3A = arith.andi %ne3A, %ne3A_14 : i1
    %sub3A = arith.constant 1 : i32
    %sub3A_15 = arith.subi %div3A, %sub3A : i32
    %select_n3A = arith.select %and3A, %sub3A_15, %div3A : i32
    %jit3A_16 = arith.constant 1 : i32
    %eq3A = arith.constant 0 : i32
    %eq3A_17 = arith.cmpi eq, %jit3A_16, %eq3A : i32
    %jit3A_18 = arith.constant 1 : i32
    %select_n3A_19 = arith.select %eq3A_17, %jit3A_18, %jit3A_16 : i32
    %rem3A_20 = arith.remsi %arg0, %select_n3A_19 : i32
    %ne3A_21 = arith.constant 0 : i32
    %ne3A_22 = arith.cmpi ne, %rem3A_20, %ne3A_21 : i32
    %lt3A = arith.constant 0 : i32
    %lt3A_23 = arith.cmpi slt, %rem3A_20, %lt3A : i32
    %lt3A_24 = arith.constant 0 : i32
    %lt3A_25 = arith.cmpi slt, %select_n3A_19, %lt3A_24 : i32
    %ne3A_26 = arith.xori %lt3A_23, %lt3A_25 : i1
    %and3A_27 = arith.andi %ne3A_26, %ne3A_22 : i1
    %add3A = arith.addi %rem3A_20, %select_n3A_19 : i32
    %select_n3A_28 = arith.select %and3A_27, %add3A, %rem3A_20 : i32
    %c0_i32 = arith.constant 0 : i32
    %c0_i32_29 = arith.constant 0 : i32
    return %select_n3A, %c0_i32, %select_n3A_28 : i32, i32, i32
  }
}

module attributes {stable_mosaic.version = 14 : i64} {
  func.func @_argmin_body(%arg0: i32, %arg1: memref<1x64x1024xf32, #tpu.memory_space<vmem>>, %arg2: memref<1024x64xf32, #tpu.memory_space<vmem>>, %arg3: memref<1x1x1024xi32, #tpu.memory_space<vmem>>, %arg4: memref<1x1xf32, #tpu.memory_space<vmem>>) attributes {dimension_semantics = [#tpu.dimension_semantics<arbitrary>], iteration_bounds = array<i64: 16>, scalar_prefetch = 0 : i64, scratch_operands = 0 : i64, tpu.core_type = #tpu.core_type<tc>, window_params = [{transform_indices = @transform_0, window_bounds = array<i64: 1, 64, 1024>}, {pipeline_mode = #tpu.pipeline_mode<synchronous>, transform_indices = @transform_1, window_bounds = array<i64: 1024, 64>}, {transform_indices = @transform_2, window_bounds = array<i64: 1, 1, 1024>}, {pipeline_mode = #tpu.pipeline_mode<synchronous>, transform_indices = @transform_3, window_bounds = array<i64: 1, 1>}]} {
    %get3A = arith.constant 0 : index
    %get3A_0 = arith.constant 0 : index
    %get3A_1 = arith.constant 0 : index
    %get3A_2 = vector.load %arg1[%get3A, %get3A_0, %get3A_1] : memref<1x64x1024xf32, #tpu.memory_space<vmem>>, vector<1x64x1024xf32>
    %get3A_3 = vector.shape_cast %get3A_2 : vector<1x64x1024xf32> to vector<64x1024xf32>
    %get3A_4 = arith.constant 0 : index
    %get3A_5 = arith.constant 0 : index
    %get3A_6 = vector.load %arg2[%get3A_4, %get3A_5] : memref<1024x64xf32, #tpu.memory_space<vmem>>, vector<1024x64xf32>
    %mul3A = arith.constant -2.000000e+00 : f32
    %mul3A_7 = vector.broadcast %mul3A : f32 to vector<1024x64xf32>
    %mul3A_8 = arith.mulf %mul3A_7, %get3A_6 : vector<1024x64xf32>
    %mul3A_9 = arith.mulf %get3A_6, %get3A_6 : vector<1024x64xf32>
    %reduce_sum3A = arith.constant dense<0.000000e+00> : vector<1024xf32>
    %reduce_sum3A_10 = vector.multi_reduction <add>, %mul3A_9, %reduce_sum3A [1] : vector<1024x64xf32> to vector<1024xf32>
    %broadcast_in_dim3A = vector.shape_cast %reduce_sum3A_10 : vector<1024xf32> to vector<1024x1xf32>
    %dot_general3A = arith.constant dense<0.000000e+00> : vector<1024x1024xf32>
    %dot_general3A_11 = tpu.matmul %mul3A_8, %get3A_3, %dot_general3A {dimension_numbers = #tpu.dot_dimension_numbers<[1], [0], [0], [1], [0, 0, 1, 1], [], []>, transpose_lhs_hint = false} : vector<1024x64xf32>, vector<64x1024xf32>, vector<1024x1024xf32> -> vector<1024x1024xf32>
    %mul3A_12 = arith.mulf %get3A_3, %get3A_3 : vector<64x1024xf32>
    %reduce_sum3A_13 = arith.constant dense<0.000000e+00> : vector<1024xf32>
    %reduce_sum3A_14 = vector.multi_reduction <add>, %mul3A_12, %reduce_sum3A_13 [0] : vector<64x1024xf32> to vector<1024xf32>
    %broadcast_in_dim3A_15 = vector.shape_cast %reduce_sum3A_14 : vector<1024xf32> to vector<1x1024xf32>
    %broadcast_in_dim3A_16 = vector.shape_cast %broadcast_in_dim3A_15 : vector<1x1024xf32> to vector<1x1024xf32>
    %broadcast_in_dim3A_17 = vector.broadcast %broadcast_in_dim3A_16 : vector<1x1024xf32> to vector<8x1024xf32>
    %iota3A = tpu.iota {dimensions = array<i32: 0>} : vector<8x1024xi32>
    %slice3A = vector.extract_strided_slice %broadcast_in_dim3A {offsets = [0, 0], sizes = [8, 1], strides = [1, 1]} : vector<1024x1xf32> to vector<8x1xf32>
    %add3A = vector.broadcast %slice3A : vector<8x1xf32> to vector<8x1024xf32>
    %add3A_18 = arith.addf %broadcast_in_dim3A_17, %add3A : vector<8x1024xf32>
    %slice3A_19 = vector.extract_strided_slice %dot_general3A_11 {offsets = [0, 0], sizes = [8, 1024], strides = [1, 1]} : vector<1024x1024xf32> to vector<8x1024xf32>
    %add3A_20 = arith.addf %add3A_18, %slice3A_19 : vector<8x1024xf32>
    %add3A_21 = arith.constant 0 : i32
    %add3A_22 = vector.broadcast %add3A_21 : i32 to vector<8x1024xi32>
    %add3A_23 = arith.addi %iota3A, %add3A_22 : vector<8x1024xi32>
    %slice3A_24 = vector.extract_strided_slice %broadcast_in_dim3A {offsets = [8, 0], sizes = [8, 1], strides = [1, 1]} : vector<1024x1xf32> to vector<8x1xf32>
    %add3A_25 = vector.broadcast %slice3A_24 : vector<8x1xf32> to vector<8x1024xf32>
    %add3A_26 = arith.addf %broadcast_in_dim3A_17, %add3A_25 : vector<8x1024xf32>
    %slice3A_27 = vector.extract_strided_slice %dot_general3A_11 {offsets = [8, 0], sizes = [8, 1024], strides = [1, 1]} : vector<1024x1024xf32> to vector<8x1024xf32>
    %add3A_28 = arith.addf %add3A_26, %slice3A_27 : vector<8x1024xf32>
    %add3A_29 = arith.constant 8 : i32
    %add3A_30 = vector.broadcast %add3A_29 : i32 to vector<8x1024xi32>
    %add3A_31 = arith.addi %iota3A, %add3A_30 : vector<8x1024xi32>
    %le3A = arith.cmpf ole, %add3A_20, %add3A_28 : vector<8x1024xf32>
    %select_n3A = arith.select %le3A, %add3A_20, %add3A_28 : vector<8x1024xi1>, vector<8x1024xf32>
    %select_n3A_32 = arith.select %le3A, %add3A_23, %add3A_31 : vector<8x1024xi1>, vector<8x1024xi32>
    %slice3A_33 = vector.extract_strided_slice %broadcast_in_dim3A {offsets = [16, 0], sizes = [8, 1], strides = [1, 1]} : vector<1024x1xf32> to vector<8x1xf32>
    %add3A_34 = vector.broadcast %slice3A_33 : vector<8x1xf32> to vector<8x1024xf32>
    %add3A_35 = arith.addf %broadcast_in_dim3A_17, %add3A_34 : vector<8x1024xf32>
    %slice3A_36 = vector.extract_strided_slice %dot_general3A_11 {offsets = [16, 0], sizes = [8, 1024], strides = [1, 1]} : vector<1024x1024xf32> to vector<8x1024xf32>
    %add3A_37 = arith.addf %add3A_35, %slice3A_36 : vector<8x1024xf32>
    %add3A_38 = arith.constant 16 : i32
    %add3A_39 = vector.broadcast %add3A_38 : i32 to vector<8x1024xi32>
    %add3A_40 = arith.addi %iota3A, %add3A_39 : vector<8x1024xi32>
    %le3A_41 = arith.cmpf ole, %select_n3A, %add3A_37 : vector<8x1024xf32>
    %select_n3A_42 = arith.select %le3A_41, %select_n3A, %add3A_37 : vector<8x1024xi1>, vector<8x1024xf32>
    %select_n3A_43 = arith.select %le3A_41, %select_n3A_32, %add3A_40 : vector<8x1024xi1>, vector<8x1024xi32>
    %slice3A_44 = vector.extract_strided_slice %broadcast_in_dim3A {offsets = [24, 0], sizes = [8, 1], strides = [1, 1]} : vector<1024x1xf32> to vector<8x1xf32>
    %add3A_45 = vector.broadcast %slice3A_44 : vector<8x1xf32> to vector<8x1024xf32>
    %add3A_46 = arith.addf %broadcast_in_dim3A_17, %add3A_45 : vector<8x1024xf32>
    %slice3A_47 = vector.extract_strided_slice %dot_general3A_11 {offsets = [24, 0], sizes = [8, 1024], strides = [1, 1]} : vector<1024x1024xf32> to vector<8x1024xf32>
    %add3A_48 = arith.addf %add3A_46, %slice3A_47 : vector<8x1024xf32>
    %add3A_49 = arith.constant 24 : i32
    %add3A_50 = vector.broadcast %add3A_49 : i32 to vector<8x1024xi32>
    %add3A_51 = arith.addi %iota3A, %add3A_50 : vector<8x1024xi32>
    %le3A_52 = arith.cmpf ole, %select_n3A_42, %add3A_48 : vector<8x1024xf32>
    %select_n3A_53 = arith.select %le3A_52, %select_n3A_42, %add3A_48 : vector<8x1024xi1>, vector<8x1024xf32>
    %select_n3A_54 = arith.select %le3A_52, %select_n3A_43, %add3A_51 : vector<8x1024xi1>, vector<8x1024xi32>
    %slice3A_55 = vector.extract_strided_slice %broadcast_in_dim3A {offsets = [32, 0], sizes = [8, 1], strides = [1, 1]} : vector<1024x1xf32> to vector<8x1xf32>
    %add3A_56 = vector.broadcast %slice3A_55 : vector<8x1xf32> to vector<8x1024xf32>
    %add3A_57 = arith.addf %broadcast_in_dim3A_17, %add3A_56 : vector<8x1024xf32>
    %slice3A_58 = vector.extract_strided_slice %dot_general3A_11 {offsets = [32, 0], sizes = [8, 1024], strides = [1, 1]} : vector<1024x1024xf32> to vector<8x1024xf32>
    %add3A_59 = arith.addf %add3A_57, %slice3A_58 : vector<8x1024xf32>
    %add3A_60 = arith.constant 32 : i32
    %add3A_61 = vector.broadcast %add3A_60 : i32 to vector<8x1024xi32>
    %add3A_62 = arith.addi %iota3A, %add3A_61 : vector<8x1024xi32>
    %le3A_63 = arith.cmpf ole, %select_n3A_53, %add3A_59 : vector<8x1024xf32>
    %select_n3A_64 = arith.select %le3A_63, %select_n3A_53, %add3A_59 : vector<8x1024xi1>, vector<8x1024xf32>
    %select_n3A_65 = arith.select %le3A_63, %select_n3A_54, %add3A_62 : vector<8x1024xi1>, vector<8x1024xi32>
    %slice3A_66 = vector.extract_strided_slice %broadcast_in_dim3A {offsets = [40, 0], sizes = [8, 1], strides = [1, 1]} : vector<1024x1xf32> to vector<8x1xf32>
    %add3A_67 = vector.broadcast %slice3A_66 : vector<8x1xf32> to vector<8x1024xf32>
    %add3A_68 = arith.addf %broadcast_in_dim3A_17, %add3A_67 : vector<8x1024xf32>
    %slice3A_69 = vector.extract_strided_slice %dot_general3A_11 {offsets = [40, 0], sizes = [8, 1024], strides = [1, 1]} : vector<1024x1024xf32> to vector<8x1024xf32>
    %add3A_70 = arith.addf %add3A_68, %slice3A_69 : vector<8x1024xf32>
    %add3A_71 = arith.constant 40 : i32
    %add3A_72 = vector.broadcast %add3A_71 : i32 to vector<8x1024xi32>
    %add3A_73 = arith.addi %iota3A, %add3A_72 : vector<8x1024xi32>
    %le3A_74 = arith.cmpf ole, %select_n3A_64, %add3A_70 : vector<8x1024xf32>
    %select_n3A_75 = arith.select %le3A_74, %select_n3A_64, %add3A_70 : vector<8x1024xi1>, vector<8x1024xf32>
    %select_n3A_76 = arith.select %le3A_74, %select_n3A_65, %add3A_73 : vector<8x1024xi1>, vector<8x1024xi32>
    %slice3A_77 = vector.extract_strided_slice %broadcast_in_dim3A {offsets = [48, 0], sizes = [8, 1], strides = [1, 1]} : vector<1024x1xf32> to vector<8x1xf32>
    %add3A_78 = vector.broadcast %slice3A_77 : vector<8x1xf32> to vector<8x1024xf32>
    %add3A_79 = arith.addf %broadcast_in_dim3A_17, %add3A_78 : vector<8x1024xf32>
    %slice3A_80 = vector.extract_strided_slice %dot_general3A_11 {offsets = [48, 0], sizes = [8, 1024], strides = [1, 1]} : vector<1024x1024xf32> to vector<8x1024xf32>
    %add3A_81 = arith.addf %add3A_79, %slice3A_80 : vector<8x1024xf32>
    %add3A_82 = arith.constant 48 : i32
    %add3A_83 = vector.broadcast %add3A_82 : i32 to vector<8x1024xi32>
    %add3A_84 = arith.addi %iota3A, %add3A_83 : vector<8x1024xi32>
    %le3A_85 = arith.cmpf ole, %select_n3A_75, %add3A_81 : vector<8x1024xf32>
    %select_n3A_86 = arith.select %le3A_85, %select_n3A_75, %add3A_81 : vector<8x1024xi1>, vector<8x1024xf32>
    %select_n3A_87 = arith.select %le3A_85, %select_n3A_76, %add3A_84 : vector<8x1024xi1>, vector<8x1024xi32>
    %slice3A_88 = vector.extract_strided_slice %broadcast_in_dim3A {offsets = [56, 0], sizes = [8, 1], strides = [1, 1]} : vector<1024x1xf32> to vector<8x1xf32>
    %add3A_89 = vector.broadcast %slice3A_88 : vector<8x1xf32> to vector<8x1024xf32>
    %add3A_90 = arith.addf %broadcast_in_dim3A_17, %add3A_89 : vector<8x1024xf32>
    %slice3A_91 = vector.extract_strided_slice %dot_general3A_11 {offsets = [56, 0], sizes = [8, 1024], strides = [1, 1]} : vector<1024x1024xf32> to vector<8x1024xf32>
    %add3A_92 = arith.addf %add3A_90, %slice3A_91 : vector<8x1024xf32>
    %add3A_93 = arith.constant 56 : i32
    %add3A_94 = vector.broadcast %add3A_93 : i32 to vector<8x1024xi32>
    %add3A_95 = arith.addi %iota3A, %add3A_94 : vector<8x1024xi32>
    %le3A_96 = arith.cmpf ole, %select_n3A_86, %add3A_92 : vector<8x1024xf32>
    %select_n3A_97 = arith.select %le3A_96, %select_n3A_86, %add3A_92 : vector<8x1024xi1>, vector<8x1024xf32>
    %select_n3A_98 = arith.select %le3A_96, %select_n3A_87, %add3A_95 : vector<8x1024xi1>, vector<8x1024xi32>
    %slice3A_99 = vector.extract_strided_slice %broadcast_in_dim3A {offsets = [64, 0], sizes = [8, 1], strides = [1, 1]} : vector<1024x1xf32> to vector<8x1xf32>
    %add3A_100 = vector.broadcast %slice3A_99 : vector<8x1xf32> to vector<8x1024xf32>
    %add3A_101 = arith.addf %broadcast_in_dim3A_17, %add3A_100 : vector<8x1024xf32>
    %slice3A_102 = vector.extract_strided_slice %dot_general3A_11 {offsets = [64, 0], sizes = [8, 1024], strides = [1, 1]} : vector<1024x1024xf32> to vector<8x1024xf32>
    %add3A_103 = arith.addf %add3A_101, %slice3A_102 : vector<8x1024xf32>
    %add3A_104 = arith.constant 64 : i32
    %add3A_105 = vector.broadcast %add3A_104 : i32 to vector<8x1024xi32>
    %add3A_106 = arith.addi %iota3A, %add3A_105 : vector<8x1024xi32>
    %le3A_107 = arith.cmpf ole, %select_n3A_97, %add3A_103 : vector<8x1024xf32>
    %select_n3A_108 = arith.select %le3A_107, %select_n3A_97, %add3A_103 : vector<8x1024xi1>, vector<8x1024xf32>
    %select_n3A_109 = arith.select %le3A_107, %select_n3A_98, %add3A_106 : vector<8x1024xi1>, vector<8x1024xi32>
    %slice3A_110 = vector.extract_strided_slice %broadcast_in_dim3A {offsets = [72, 0], sizes = [8, 1], strides = [1, 1]} : vector<1024x1xf32> to vector<8x1xf32>
    %add3A_111 = vector.broadcast %slice3A_110 : vector<8x1xf32> to vector<8x1024xf32>
    %add3A_112 = arith.addf %broadcast_in_dim3A_17, %add3A_111 : vector<8x1024xf32>
    %slice3A_113 = vector.extract_strided_slice %dot_general3A_11 {offsets = [72, 0], sizes = [8, 1024], strides = [1, 1]} : vector<1024x1024xf32> to vector<8x1024xf32>
    %add3A_114 = arith.addf %add3A_112, %slice3A_113 : vector<8x1024xf32>
    %add3A_115 = arith.constant 72 : i32
    %add3A_116 = vector.broadcast %add3A_115 : i32 to vector<8x1024xi32>
    %add3A_117 = arith.addi %iota3A, %add3A_116 : vector<8x1024xi32>
    %le3A_118 = arith.cmpf ole, %select_n3A_108, %add3A_114 : vector<8x1024xf32>
    %select_n3A_119 = arith.select %le3A_118, %select_n3A_108, %add3A_114 : vector<8x1024xi1>, vector<8x1024xf32>
    %select_n3A_120 = arith.select %le3A_118, %select_n3A_109, %add3A_117 : vector<8x1024xi1>, vector<8x1024xi32>
    %slice3A_121 = vector.extract_strided_slice %broadcast_in_dim3A {offsets = [80, 0], sizes = [8, 1], strides = [1, 1]} : vector<1024x1xf32> to vector<8x1xf32>
    %add3A_122 = vector.broadcast %slice3A_121 : vector<8x1xf32> to vector<8x1024xf32>
    %add3A_123 = arith.addf %broadcast_in_dim3A_17, %add3A_122 : vector<8x1024xf32>
    %slice3A_124 = vector.extract_strided_slice %dot_general3A_11 {offsets = [80, 0], sizes = [8, 1024], strides = [1, 1]} : vector<1024x1024xf32> to vector<8x1024xf32>
    %add3A_125 = arith.addf %add3A_123, %slice3A_124 : vector<8x1024xf32>
    %add3A_126 = arith.constant 80 : i32
    %add3A_127 = vector.broadcast %add3A_126 : i32 to vector<8x1024xi32>
    %add3A_128 = arith.addi %iota3A, %add3A_127 : vector<8x1024xi32>
    %le3A_129 = arith.cmpf ole, %select_n3A_119, %add3A_125 : vector<8x1024xf32>
    %select_n3A_130 = arith.select %le3A_129, %select_n3A_119, %add3A_125 : vector<8x1024xi1>, vector<8x1024xf32>
    %select_n3A_131 = arith.select %le3A_129, %select_n3A_120, %add3A_128 : vector<8x1024xi1>, vector<8x1024xi32>
    %slice3A_132 = vector.extract_strided_slice %broadcast_in_dim3A {offsets = [88, 0], sizes = [8, 1], strides = [1, 1]} : vector<1024x1xf32> to vector<8x1xf32>
    %add3A_133 = vector.broadcast %slice3A_132 : vector<8x1xf32> to vector<8x1024xf32>
    %add3A_134 = arith.addf %broadcast_in_dim3A_17, %add3A_133 : vector<8x1024xf32>
    %slice3A_135 = vector.extract_strided_slice %dot_general3A_11 {offsets = [88, 0], sizes = [8, 1024], strides = [1, 1]} : vector<1024x1024xf32> to vector<8x1024xf32>
    %add3A_136 = arith.addf %add3A_134, %slice3A_135 : vector<8x1024xf32>
    %add3A_137 = arith.constant 88 : i32
    %add3A_138 = vector.broadcast %add3A_137 : i32 to vector<8x1024xi32>
    %add3A_139 = arith.addi %iota3A, %add3A_138 : vector<8x1024xi32>
    %le3A_140 = arith.cmpf ole, %select_n3A_130, %add3A_136 : vector<8x1024xf32>
    %select_n3A_141 = arith.select %le3A_140, %select_n3A_130, %add3A_136 : vector<8x1024xi1>, vector<8x1024xf32>
    %select_n3A_142 = arith.select %le3A_140, %select_n3A_131, %add3A_139 : vector<8x1024xi1>, vector<8x1024xi32>
    %slice3A_143 = vector.extract_strided_slice %broadcast_in_dim3A {offsets = [96, 0], sizes = [8, 1], strides = [1, 1]} : vector<1024x1xf32> to vector<8x1xf32>
    %add3A_144 = vector.broadcast %slice3A_143 : vector<8x1xf32> to vector<8x1024xf32>
    %add3A_145 = arith.addf %broadcast_in_dim3A_17, %add3A_144 : vector<8x1024xf32>
    %slice3A_146 = vector.extract_strided_slice %dot_general3A_11 {offsets = [96, 0], sizes = [8, 1024], strides = [1, 1]} : vector<1024x1024xf32> to vector<8x1024xf32>
    %add3A_147 = arith.addf %add3A_145, %slice3A_146 : vector<8x1024xf32>
    %add3A_148 = arith.constant 96 : i32
    %add3A_149 = vector.broadcast %add3A_148 : i32 to vector<8x1024xi32>
    %add3A_150 = arith.addi %iota3A, %add3A_149 : vector<8x1024xi32>
    %le3A_151 = arith.cmpf ole, %select_n3A_141, %add3A_147 : vector<8x1024xf32>
    %select_n3A_152 = arith.select %le3A_151, %select_n3A_141, %add3A_147 : vector<8x1024xi1>, vector<8x1024xf32>
    %select_n3A_153 = arith.select %le3A_151, %select_n3A_142, %add3A_150 : vector<8x1024xi1>, vector<8x1024xi32>
    %slice3A_154 = vector.extract_strided_slice %broadcast_in_dim3A {offsets = [104, 0], sizes = [8, 1], strides = [1, 1]} : vector<1024x1xf32> to vector<8x1xf32>
    %add3A_155 = vector.broadcast %slice3A_154 : vector<8x1xf32> to vector<8x1024xf32>
    %add3A_156 = arith.addf %broadcast_in_dim3A_17, %add3A_155 : vector<8x1024xf32>
    %slice3A_157 = vector.extract_strided_slice %dot_general3A_11 {offsets = [104, 0], sizes = [8, 1024], strides = [1, 1]} : vector<1024x1024xf32> to vector<8x1024xf32>
    %add3A_158 = arith.addf %add3A_156, %slice3A_157 : vector<8x1024xf32>
    %add3A_159 = arith.constant 104 : i32
    %add3A_160 = vector.broadcast %add3A_159 : i32 to vector<8x1024xi32>
    %add3A_161 = arith.addi %iota3A, %add3A_160 : vector<8x1024xi32>
    %le3A_162 = arith.cmpf ole, %select_n3A_152, %add3A_158 : vector<8x1024xf32>
    %select_n3A_163 = arith.select %le3A_162, %select_n3A_152, %add3A_158 : vector<8x1024xi1>, vector<8x1024xf32>
    %select_n3A_164 = arith.select %le3A_162, %select_n3A_153, %add3A_161 : vector<8x1024xi1>, vector<8x1024xi32>
    %slice3A_165 = vector.extract_strided_slice %broadcast_in_dim3A {offsets = [112, 0], sizes = [8, 1], strides = [1, 1]} : vector<1024x1xf32> to vector<8x1xf32>
    %add3A_166 = vector.broadcast %slice3A_165 : vector<8x1xf32> to vector<8x1024xf32>
    %add3A_167 = arith.addf %broadcast_in_dim3A_17, %add3A_166 : vector<8x1024xf32>
    %slice3A_168 = vector.extract_strided_slice %dot_general3A_11 {offsets = [112, 0], sizes = [8, 1024], strides = [1, 1]} : vector<1024x1024xf32> to vector<8x1024xf32>
    %add3A_169 = arith.addf %add3A_167, %slice3A_168 : vector<8x1024xf32>
    %add3A_170 = arith.constant 112 : i32
    %add3A_171 = vector.broadcast %add3A_170 : i32 to vector<8x1024xi32>
    %add3A_172 = arith.addi %iota3A, %add3A_171 : vector<8x1024xi32>
    %le3A_173 = arith.cmpf ole, %select_n3A_163, %add3A_169 : vector<8x1024xf32>
    %select_n3A_174 = arith.select %le3A_173, %select_n3A_163, %add3A_169 : vector<8x1024xi1>, vector<8x1024xf32>
    %select_n3A_175 = arith.select %le3A_173, %select_n3A_164, %add3A_172 : vector<8x1024xi1>, vector<8x1024xi32>
    %slice3A_176 = vector.extract_strided_slice %broadcast_in_dim3A {offsets = [120, 0], sizes = [8, 1], strides = [1, 1]} : vector<1024x1xf32> to vector<8x1xf32>
    %add3A_177 = vector.broadcast %slice3A_176 : vector<8x1xf32> to vector<8x1024xf32>
    %add3A_178 = arith.addf %broadcast_in_dim3A_17, %add3A_177 : vector<8x1024xf32>
    %slice3A_179 = vector.extract_strided_slice %dot_general3A_11 {offsets = [120, 0], sizes = [8, 1024], strides = [1, 1]} : vector<1024x1024xf32> to vector<8x1024xf32>
    %add3A_180 = arith.addf %add3A_178, %slice3A_179 : vector<8x1024xf32>
    %add3A_181 = arith.constant 120 : i32
    %add3A_182 = vector.broadcast %add3A_181 : i32 to vector<8x1024xi32>
    %add3A_183 = arith.addi %iota3A, %add3A_182 : vector<8x1024xi32>
    %le3A_184 = arith.cmpf ole, %select_n3A_174, %add3A_180 : vector<8x1024xf32>
    %select_n3A_185 = arith.select %le3A_184, %select_n3A_174, %add3A_180 : vector<8x1024xi1>, vector<8x1024xf32>
    %select_n3A_186 = arith.select %le3A_184, %select_n3A_175, %add3A_183 : vector<8x1024xi1>, vector<8x1024xi32>
    %slice3A_187 = vector.extract_strided_slice %broadcast_in_dim3A {offsets = [128, 0], sizes = [8, 1], strides = [1, 1]} : vector<1024x1xf32> to vector<8x1xf32>
    %add3A_188 = vector.broadcast %slice3A_187 : vector<8x1xf32> to vector<8x1024xf32>
    %add3A_189 = arith.addf %broadcast_in_dim3A_17, %add3A_188 : vector<8x1024xf32>
    %slice3A_190 = vector.extract_strided_slice %dot_general3A_11 {offsets = [128, 0], sizes = [8, 1024], strides = [1, 1]} : vector<1024x1024xf32> to vector<8x1024xf32>
    %add3A_191 = arith.addf %add3A_189, %slice3A_190 : vector<8x1024xf32>
    %add3A_192 = arith.constant 128 : i32
    %add3A_193 = vector.broadcast %add3A_192 : i32 to vector<8x1024xi32>
    %add3A_194 = arith.addi %iota3A, %add3A_193 : vector<8x1024xi32>
    %le3A_195 = arith.cmpf ole, %select_n3A_185, %add3A_191 : vector<8x1024xf32>
    %select_n3A_196 = arith.select %le3A_195, %select_n3A_185, %add3A_191 : vector<8x1024xi1>, vector<8x1024xf32>
    %select_n3A_197 = arith.select %le3A_195, %select_n3A_186, %add3A_194 : vector<8x1024xi1>, vector<8x1024xi32>
    %slice3A_198 = vector.extract_strided_slice %broadcast_in_dim3A {offsets = [136, 0], sizes = [8, 1], strides = [1, 1]} : vector<1024x1xf32> to vector<8x1xf32>
    %add3A_199 = vector.broadcast %slice3A_198 : vector<8x1xf32> to vector<8x1024xf32>
    %add3A_200 = arith.addf %broadcast_in_dim3A_17, %add3A_199 : vector<8x1024xf32>
    %slice3A_201 = vector.extract_strided_slice %dot_general3A_11 {offsets = [136, 0], sizes = [8, 1024], strides = [1, 1]} : vector<1024x1024xf32> to vector<8x1024xf32>
    %add3A_202 = arith.addf %add3A_200, %slice3A_201 : vector<8x1024xf32>
    %add3A_203 = arith.constant 136 : i32
    %add3A_204 = vector.broadcast %add3A_203 : i32 to vector<8x1024xi32>
    %add3A_205 = arith.addi %iota3A, %add3A_204 : vector<8x1024xi32>
    %le3A_206 = arith.cmpf ole, %select_n3A_196, %add3A_202 : vector<8x1024xf32>
    %select_n3A_207 = arith.select %le3A_206, %select_n3A_196, %add3A_202 : vector<8x1024xi1>, vector<8x1024xf32>
    %select_n3A_208 = arith.select %le3A_206, %select_n3A_197, %add3A_205 : vector<8x1024xi1>, vector<8x1024xi32>
    %slice3A_209 = vector.extract_strided_slice %broadcast_in_dim3A {offsets = [144, 0], sizes = [8, 1], strides = [1, 1]} : vector<1024x1xf32> to vector<8x1xf32>
    %add3A_210 = vector.broadcast %slice3A_209 : vector<8x1xf32> to vector<8x1024xf32>
    %add3A_211 = arith.addf %broadcast_in_dim3A_17, %add3A_210 : vector<8x1024xf32>
    %slice3A_212 = vector.extract_strided_slice %dot_general3A_11 {offsets = [144, 0], sizes = [8, 1024], strides = [1, 1]} : vector<1024x1024xf32> to vector<8x1024xf32>
    %add3A_213 = arith.addf %add3A_211, %slice3A_212 : vector<8x1024xf32>
    %add3A_214 = arith.constant 144 : i32
    %add3A_215 = vector.broadcast %add3A_214 : i32 to vector<8x1024xi32>
    %add3A_216 = arith.addi %iota3A, %add3A_215 : vector<8x1024xi32>
    %le3A_217 = arith.cmpf ole, %select_n3A_207, %add3A_213 : vector<8x1024xf32>
    %select_n3A_218 = arith.select %le3A_217, %select_n3A_207, %add3A_213 : vector<8x1024xi1>, vector<8x1024xf32>
    %select_n3A_219 = arith.select %le3A_217, %select_n3A_208, %add3A_216 : vector<8x1024xi1>, vector<8x1024xi32>
    %slice3A_220 = vector.extract_strided_slice %broadcast_in_dim3A {offsets = [152, 0], sizes = [8, 1], strides = [1, 1]} : vector<1024x1xf32> to vector<8x1xf32>
    %add3A_221 = vector.broadcast %slice3A_220 : vector<8x1xf32> to vector<8x1024xf32>
    %add3A_222 = arith.addf %broadcast_in_dim3A_17, %add3A_221 : vector<8x1024xf32>
    %slice3A_223 = vector.extract_strided_slice %dot_general3A_11 {offsets = [152, 0], sizes = [8, 1024], strides = [1, 1]} : vector<1024x1024xf32> to vector<8x1024xf32>
    %add3A_224 = arith.addf %add3A_222, %slice3A_223 : vector<8x1024xf32>
    %add3A_225 = arith.constant 152 : i32
    %add3A_226 = vector.broadcast %add3A_225 : i32 to vector<8x1024xi32>
    %add3A_227 = arith.addi %iota3A, %add3A_226 : vector<8x1024xi32>
    %le3A_228 = arith.cmpf ole, %select_n3A_218, %add3A_224 : vector<8x1024xf32>
    %select_n3A_229 = arith.select %le3A_228, %select_n3A_218, %add3A_224 : vector<8x1024xi1>, vector<8x1024xf32>
    %select_n3A_230 = arith.select %le3A_228, %select_n3A_219, %add3A_227 : vector<8x1024xi1>, vector<8x1024xi32>
    %slice3A_231 = vector.extract_strided_slice %broadcast_in_dim3A {offsets = [160, 0], sizes = [8, 1], strides = [1, 1]} : vector<1024x1xf32> to vector<8x1xf32>
    %add3A_232 = vector.broadcast %slice3A_231 : vector<8x1xf32> to vector<8x1024xf32>
    %add3A_233 = arith.addf %broadcast_in_dim3A_17, %add3A_232 : vector<8x1024xf32>
    %slice3A_234 = vector.extract_strided_slice %dot_general3A_11 {offsets = [160, 0], sizes = [8, 1024], strides = [1, 1]} : vector<1024x1024xf32> to vector<8x1024xf32>
    %add3A_235 = arith.addf %add3A_233, %slice3A_234 : vector<8x1024xf32>
    %add3A_236 = arith.constant 160 : i32
    %add3A_237 = vector.broadcast %add3A_236 : i32 to vector<8x1024xi32>
    %add3A_238 = arith.addi %iota3A, %add3A_237 : vector<8x1024xi32>
    %le3A_239 = arith.cmpf ole, %select_n3A_229, %add3A_235 : vector<8x1024xf32>
    %select_n3A_240 = arith.select %le3A_239, %select_n3A_229, %add3A_235 : vector<8x1024xi1>, vector<8x1024xf32>
    %select_n3A_241 = arith.select %le3A_239, %select_n3A_230, %add3A_238 : vector<8x1024xi1>, vector<8x1024xi32>
    %slice3A_242 = vector.extract_strided_slice %broadcast_in_dim3A {offsets = [168, 0], sizes = [8, 1], strides = [1, 1]} : vector<1024x1xf32> to vector<8x1xf32>
    %add3A_243 = vector.broadcast %slice3A_242 : vector<8x1xf32> to vector<8x1024xf32>
    %add3A_244 = arith.addf %broadcast_in_dim3A_17, %add3A_243 : vector<8x1024xf32>
    %slice3A_245 = vector.extract_strided_slice %dot_general3A_11 {offsets = [168, 0], sizes = [8, 1024], strides = [1, 1]} : vector<1024x1024xf32> to vector<8x1024xf32>
    %add3A_246 = arith.addf %add3A_244, %slice3A_245 : vector<8x1024xf32>
    %add3A_247 = arith.constant 168 : i32
    %add3A_248 = vector.broadcast %add3A_247 : i32 to vector<8x1024xi32>
    %add3A_249 = arith.addi %iota3A, %add3A_248 : vector<8x1024xi32>
    %le3A_250 = arith.cmpf ole, %select_n3A_240, %add3A_246 : vector<8x1024xf32>
    %select_n3A_251 = arith.select %le3A_250, %select_n3A_240, %add3A_246 : vector<8x1024xi1>, vector<8x1024xf32>
    %select_n3A_252 = arith.select %le3A_250, %select_n3A_241, %add3A_249 : vector<8x1024xi1>, vector<8x1024xi32>
    %slice3A_253 = vector.extract_strided_slice %broadcast_in_dim3A {offsets = [176, 0], sizes = [8, 1], strides = [1, 1]} : vector<1024x1xf32> to vector<8x1xf32>
    %add3A_254 = vector.broadcast %slice3A_253 : vector<8x1xf32> to vector<8x1024xf32>
    %add3A_255 = arith.addf %broadcast_in_dim3A_17, %add3A_254 : vector<8x1024xf32>
    %slice3A_256 = vector.extract_strided_slice %dot_general3A_11 {offsets = [176, 0], sizes = [8, 1024], strides = [1, 1]} : vector<1024x1024xf32> to vector<8x1024xf32>
    %add3A_257 = arith.addf %add3A_255, %slice3A_256 : vector<8x1024xf32>
    %add3A_258 = arith.constant 176 : i32
    %add3A_259 = vector.broadcast %add3A_258 : i32 to vector<8x1024xi32>
    %add3A_260 = arith.addi %iota3A, %add3A_259 : vector<8x1024xi32>
    %le3A_261 = arith.cmpf ole, %select_n3A_251, %add3A_257 : vector<8x1024xf32>
    %select_n3A_262 = arith.select %le3A_261, %select_n3A_251, %add3A_257 : vector<8x1024xi1>, vector<8x1024xf32>
    %select_n3A_263 = arith.select %le3A_261, %select_n3A_252, %add3A_260 : vector<8x1024xi1>, vector<8x1024xi32>
    %slice3A_264 = vector.extract_strided_slice %broadcast_in_dim3A {offsets = [184, 0], sizes = [8, 1], strides = [1, 1]} : vector<1024x1xf32> to vector<8x1xf32>
    %add3A_265 = vector.broadcast %slice3A_264 : vector<8x1xf32> to vector<8x1024xf32>
    %add3A_266 = arith.addf %broadcast_in_dim3A_17, %add3A_265 : vector<8x1024xf32>
    %slice3A_267 = vector.extract_strided_slice %dot_general3A_11 {offsets = [184, 0], sizes = [8, 1024], strides = [1, 1]} : vector<1024x1024xf32> to vector<8x1024xf32>
    %add3A_268 = arith.addf %add3A_266, %slice3A_267 : vector<8x1024xf32>
    %add3A_269 = arith.constant 184 : i32
    %add3A_270 = vector.broadcast %add3A_269 : i32 to vector<8x1024xi32>
    %add3A_271 = arith.addi %iota3A, %add3A_270 : vector<8x1024xi32>
    %le3A_272 = arith.cmpf ole, %select_n3A_262, %add3A_268 : vector<8x1024xf32>
    %select_n3A_273 = arith.select %le3A_272, %select_n3A_262, %add3A_268 : vector<8x1024xi1>, vector<8x1024xf32>
    %select_n3A_274 = arith.select %le3A_272, %select_n3A_263, %add3A_271 : vector<8x1024xi1>, vector<8x1024xi32>
    %slice3A_275 = vector.extract_strided_slice %broadcast_in_dim3A {offsets = [192, 0], sizes = [8, 1], strides = [1, 1]} : vector<1024x1xf32> to vector<8x1xf32>
    %add3A_276 = vector.broadcast %slice3A_275 : vector<8x1xf32> to vector<8x1024xf32>
    %add3A_277 = arith.addf %broadcast_in_dim3A_17, %add3A_276 : vector<8x1024xf32>
    %slice3A_278 = vector.extract_strided_slice %dot_general3A_11 {offsets = [192, 0], sizes = [8, 1024], strides = [1, 1]} : vector<1024x1024xf32> to vector<8x1024xf32>
    %add3A_279 = arith.addf %add3A_277, %slice3A_278 : vector<8x1024xf32>
    %add3A_280 = arith.constant 192 : i32
    %add3A_281 = vector.broadcast %add3A_280 : i32 to vector<8x1024xi32>
    %add3A_282 = arith.addi %iota3A, %add3A_281 : vector<8x1024xi32>
    %le3A_283 = arith.cmpf ole, %select_n3A_273, %add3A_279 : vector<8x1024xf32>
    %select_n3A_284 = arith.select %le3A_283, %select_n3A_273, %add3A_279 : vector<8x1024xi1>, vector<8x1024xf32>
    %select_n3A_285 = arith.select %le3A_283, %select_n3A_274, %add3A_282 : vector<8x1024xi1>, vector<8x1024xi32>
    %slice3A_286 = vector.extract_strided_slice %broadcast_in_dim3A {offsets = [200, 0], sizes = [8, 1], strides = [1, 1]} : vector<1024x1xf32> to vector<8x1xf32>
    %add3A_287 = vector.broadcast %slice3A_286 : vector<8x1xf32> to vector<8x1024xf32>
    %add3A_288 = arith.addf %broadcast_in_dim3A_17, %add3A_287 : vector<8x1024xf32>
    %slice3A_289 = vector.extract_strided_slice %dot_general3A_11 {offsets = [200, 0], sizes = [8, 1024], strides = [1, 1]} : vector<1024x1024xf32> to vector<8x1024xf32>
    %add3A_290 = arith.addf %add3A_288, %slice3A_289 : vector<8x1024xf32>
    %add3A_291 = arith.constant 200 : i32
    %add3A_292 = vector.broadcast %add3A_291 : i32 to vector<8x1024xi32>
    %add3A_293 = arith.addi %iota3A, %add3A_292 : vector<8x1024xi32>
    %le3A_294 = arith.cmpf ole, %select_n3A_284, %add3A_290 : vector<8x1024xf32>
    %select_n3A_295 = arith.select %le3A_294, %select_n3A_284, %add3A_290 : vector<8x1024xi1>, vector<8x1024xf32>
    %select_n3A_296 = arith.select %le3A_294, %select_n3A_285, %add3A_293 : vector<8x1024xi1>, vector<8x1024xi32>
    %slice3A_297 = vector.extract_strided_slice %broadcast_in_dim3A {offsets = [208, 0], sizes = [8, 1], strides = [1, 1]} : vector<1024x1xf32> to vector<8x1xf32>
    %add3A_298 = vector.broadcast %slice3A_297 : vector<8x1xf32> to vector<8x1024xf32>
    %add3A_299 = arith.addf %broadcast_in_dim3A_17, %add3A_298 : vector<8x1024xf32>
    %slice3A_300 = vector.extract_strided_slice %dot_general3A_11 {offsets = [208, 0], sizes = [8, 1024], strides = [1, 1]} : vector<1024x1024xf32> to vector<8x1024xf32>
    %add3A_301 = arith.addf %add3A_299, %slice3A_300 : vector<8x1024xf32>
    %add3A_302 = arith.constant 208 : i32
    %add3A_303 = vector.broadcast %add3A_302 : i32 to vector<8x1024xi32>
    %add3A_304 = arith.addi %iota3A, %add3A_303 : vector<8x1024xi32>
    %le3A_305 = arith.cmpf ole, %select_n3A_295, %add3A_301 : vector<8x1024xf32>
    %select_n3A_306 = arith.select %le3A_305, %select_n3A_295, %add3A_301 : vector<8x1024xi1>, vector<8x1024xf32>
    %select_n3A_307 = arith.select %le3A_305, %select_n3A_296, %add3A_304 : vector<8x1024xi1>, vector<8x1024xi32>
    %slice3A_308 = vector.extract_strided_slice %broadcast_in_dim3A {offsets = [216, 0], sizes = [8, 1], strides = [1, 1]} : vector<1024x1xf32> to vector<8x1xf32>
    %add3A_309 = vector.broadcast %slice3A_308 : vector<8x1xf32> to vector<8x1024xf32>
    %add3A_310 = arith.addf %broadcast_in_dim3A_17, %add3A_309 : vector<8x1024xf32>
    %slice3A_311 = vector.extract_strided_slice %dot_general3A_11 {offsets = [216, 0], sizes = [8, 1024], strides = [1, 1]} : vector<1024x1024xf32> to vector<8x1024xf32>
    %add3A_312 = arith.addf %add3A_310, %slice3A_311 : vector<8x1024xf32>
    %add3A_313 = arith.constant 216 : i32
    %add3A_314 = vector.broadcast %add3A_313 : i32 to vector<8x1024xi32>
    %add3A_315 = arith.addi %iota3A, %add3A_314 : vector<8x1024xi32>
    %le3A_316 = arith.cmpf ole, %select_n3A_306, %add3A_312 : vector<8x1024xf32>
    %select_n3A_317 = arith.select %le3A_316, %select_n3A_306, %add3A_312 : vector<8x1024xi1>, vector<8x1024xf32>
    %select_n3A_318 = arith.select %le3A_316, %select_n3A_307, %add3A_315 : vector<8x1024xi1>, vector<8x1024xi32>
    %slice3A_319 = vector.extract_strided_slice %broadcast_in_dim3A {offsets = [224, 0], sizes = [8, 1], strides = [1, 1]} : vector<1024x1xf32> to vector<8x1xf32>
    %add3A_320 = vector.broadcast %slice3A_319 : vector<8x1xf32> to vector<8x1024xf32>
    %add3A_321 = arith.addf %broadcast_in_dim3A_17, %add3A_320 : vector<8x1024xf32>
    %slice3A_322 = vector.extract_strided_slice %dot_general3A_11 {offsets = [224, 0], sizes = [8, 1024], strides = [1, 1]} : vector<1024x1024xf32> to vector<8x1024xf32>
    %add3A_323 = arith.addf %add3A_321, %slice3A_322 : vector<8x1024xf32>
    %add3A_324 = arith.constant 224 : i32
    %add3A_325 = vector.broadcast %add3A_324 : i32 to vector<8x1024xi32>
    %add3A_326 = arith.addi %iota3A, %add3A_325 : vector<8x1024xi32>
    %le3A_327 = arith.cmpf ole, %select_n3A_317, %add3A_323 : vector<8x1024xf32>
    %select_n3A_328 = arith.select %le3A_327, %select_n3A_317, %add3A_323 : vector<8x1024xi1>, vector<8x1024xf32>
    %select_n3A_329 = arith.select %le3A_327, %select_n3A_318, %add3A_326 : vector<8x1024xi1>, vector<8x1024xi32>
    %slice3A_330 = vector.extract_strided_slice %broadcast_in_dim3A {offsets = [232, 0], sizes = [8, 1], strides = [1, 1]} : vector<1024x1xf32> to vector<8x1xf32>
    %add3A_331 = vector.broadcast %slice3A_330 : vector<8x1xf32> to vector<8x1024xf32>
    %add3A_332 = arith.addf %broadcast_in_dim3A_17, %add3A_331 : vector<8x1024xf32>
    %slice3A_333 = vector.extract_strided_slice %dot_general3A_11 {offsets = [232, 0], sizes = [8, 1024], strides = [1, 1]} : vector<1024x1024xf32> to vector<8x1024xf32>
    %add3A_334 = arith.addf %add3A_332, %slice3A_333 : vector<8x1024xf32>
    %add3A_335 = arith.constant 232 : i32
    %add3A_336 = vector.broadcast %add3A_335 : i32 to vector<8x1024xi32>
    %add3A_337 = arith.addi %iota3A, %add3A_336 : vector<8x1024xi32>
    %le3A_338 = arith.cmpf ole, %select_n3A_328, %add3A_334 : vector<8x1024xf32>
    %select_n3A_339 = arith.select %le3A_338, %select_n3A_328, %add3A_334 : vector<8x1024xi1>, vector<8x1024xf32>
    %select_n3A_340 = arith.select %le3A_338, %select_n3A_329, %add3A_337 : vector<8x1024xi1>, vector<8x1024xi32>
    %slice3A_341 = vector.extract_strided_slice %broadcast_in_dim3A {offsets = [240, 0], sizes = [8, 1], strides = [1, 1]} : vector<1024x1xf32> to vector<8x1xf32>
    %add3A_342 = vector.broadcast %slice3A_341 : vector<8x1xf32> to vector<8x1024xf32>
    %add3A_343 = arith.addf %broadcast_in_dim3A_17, %add3A_342 : vector<8x1024xf32>
    %slice3A_344 = vector.extract_strided_slice %dot_general3A_11 {offsets = [240, 0], sizes = [8, 1024], strides = [1, 1]} : vector<1024x1024xf32> to vector<8x1024xf32>
    %add3A_345 = arith.addf %add3A_343, %slice3A_344 : vector<8x1024xf32>
    %add3A_346 = arith.constant 240 : i32
    %add3A_347 = vector.broadcast %add3A_346 : i32 to vector<8x1024xi32>
    %add3A_348 = arith.addi %iota3A, %add3A_347 : vector<8x1024xi32>
    %le3A_349 = arith.cmpf ole, %select_n3A_339, %add3A_345 : vector<8x1024xf32>
    %select_n3A_350 = arith.select %le3A_349, %select_n3A_339, %add3A_345 : vector<8x1024xi1>, vector<8x1024xf32>
    %select_n3A_351 = arith.select %le3A_349, %select_n3A_340, %add3A_348 : vector<8x1024xi1>, vector<8x1024xi32>
    %slice3A_352 = vector.extract_strided_slice %broadcast_in_dim3A {offsets = [248, 0], sizes = [8, 1], strides = [1, 1]} : vector<1024x1xf32> to vector<8x1xf32>
    %add3A_353 = vector.broadcast %slice3A_352 : vector<8x1xf32> to vector<8x1024xf32>
    %add3A_354 = arith.addf %broadcast_in_dim3A_17, %add3A_353 : vector<8x1024xf32>
    %slice3A_355 = vector.extract_strided_slice %dot_general3A_11 {offsets = [248, 0], sizes = [8, 1024], strides = [1, 1]} : vector<1024x1024xf32> to vector<8x1024xf32>
    %add3A_356 = arith.addf %add3A_354, %slice3A_355 : vector<8x1024xf32>
    %add3A_357 = arith.constant 248 : i32
    %add3A_358 = vector.broadcast %add3A_357 : i32 to vector<8x1024xi32>
    %add3A_359 = arith.addi %iota3A, %add3A_358 : vector<8x1024xi32>
    %le3A_360 = arith.cmpf ole, %select_n3A_350, %add3A_356 : vector<8x1024xf32>
    %select_n3A_361 = arith.select %le3A_360, %select_n3A_350, %add3A_356 : vector<8x1024xi1>, vector<8x1024xf32>
    %select_n3A_362 = arith.select %le3A_360, %select_n3A_351, %add3A_359 : vector<8x1024xi1>, vector<8x1024xi32>
    %slice3A_363 = vector.extract_strided_slice %broadcast_in_dim3A {offsets = [256, 0], sizes = [8, 1], strides = [1, 1]} : vector<1024x1xf32> to vector<8x1xf32>
    %add3A_364 = vector.broadcast %slice3A_363 : vector<8x1xf32> to vector<8x1024xf32>
    %add3A_365 = arith.addf %broadcast_in_dim3A_17, %add3A_364 : vector<8x1024xf32>
    %slice3A_366 = vector.extract_strided_slice %dot_general3A_11 {offsets = [256, 0], sizes = [8, 1024], strides = [1, 1]} : vector<1024x1024xf32> to vector<8x1024xf32>
    %add3A_367 = arith.addf %add3A_365, %slice3A_366 : vector<8x1024xf32>
    %add3A_368 = arith.constant 256 : i32
    %add3A_369 = vector.broadcast %add3A_368 : i32 to vector<8x1024xi32>
    %add3A_370 = arith.addi %iota3A, %add3A_369 : vector<8x1024xi32>
    %slice3A_371 = vector.extract_strided_slice %broadcast_in_dim3A {offsets = [264, 0], sizes = [8, 1], strides = [1, 1]} : vector<1024x1xf32> to vector<8x1xf32>
    %add3A_372 = vector.broadcast %slice3A_371 : vector<8x1xf32> to vector<8x1024xf32>
    %add3A_373 = arith.addf %broadcast_in_dim3A_17, %add3A_372 : vector<8x1024xf32>
    %slice3A_374 = vector.extract_strided_slice %dot_general3A_11 {offsets = [264, 0], sizes = [8, 1024], strides = [1, 1]} : vector<1024x1024xf32> to vector<8x1024xf32>
    %add3A_375 = arith.addf %add3A_373, %slice3A_374 : vector<8x1024xf32>
    %add3A_376 = arith.constant 264 : i32
    %add3A_377 = vector.broadcast %add3A_376 : i32 to vector<8x1024xi32>
    %add3A_378 = arith.addi %iota3A, %add3A_377 : vector<8x1024xi32>
    %le3A_379 = arith.cmpf ole, %add3A_367, %add3A_375 : vector<8x1024xf32>
    %select_n3A_380 = arith.select %le3A_379, %add3A_367, %add3A_375 : vector<8x1024xi1>, vector<8x1024xf32>
    %select_n3A_381 = arith.select %le3A_379, %add3A_370, %add3A_378 : vector<8x1024xi1>, vector<8x1024xi32>
    %slice3A_382 = vector.extract_strided_slice %broadcast_in_dim3A {offsets = [272, 0], sizes = [8, 1], strides = [1, 1]} : vector<1024x1xf32> to vector<8x1xf32>
    %add3A_383 = vector.broadcast %slice3A_382 : vector<8x1xf32> to vector<8x1024xf32>
    %add3A_384 = arith.addf %broadcast_in_dim3A_17, %add3A_383 : vector<8x1024xf32>
    %slice3A_385 = vector.extract_strided_slice %dot_general3A_11 {offsets = [272, 0], sizes = [8, 1024], strides = [1, 1]} : vector<1024x1024xf32> to vector<8x1024xf32>
    %add3A_386 = arith.addf %add3A_384, %slice3A_385 : vector<8x1024xf32>
    %add3A_387 = arith.constant 272 : i32
    %add3A_388 = vector.broadcast %add3A_387 : i32 to vector<8x1024xi32>
    %add3A_389 = arith.addi %iota3A, %add3A_388 : vector<8x1024xi32>
    %le3A_390 = arith.cmpf ole, %select_n3A_380, %add3A_386 : vector<8x1024xf32>
    %select_n3A_391 = arith.select %le3A_390, %select_n3A_380, %add3A_386 : vector<8x1024xi1>, vector<8x1024xf32>
    %select_n3A_392 = arith.select %le3A_390, %select_n3A_381, %add3A_389 : vector<8x1024xi1>, vector<8x1024xi32>
    %slice3A_393 = vector.extract_strided_slice %broadcast_in_dim3A {offsets = [280, 0], sizes = [8, 1], strides = [1, 1]} : vector<1024x1xf32> to vector<8x1xf32>
    %add3A_394 = vector.broadcast %slice3A_393 : vector<8x1xf32> to vector<8x1024xf32>
    %add3A_395 = arith.addf %broadcast_in_dim3A_17, %add3A_394 : vector<8x1024xf32>
    %slice3A_396 = vector.extract_strided_slice %dot_general3A_11 {offsets = [280, 0], sizes = [8, 1024], strides = [1, 1]} : vector<1024x1024xf32> to vector<8x1024xf32>
    %add3A_397 = arith.addf %add3A_395, %slice3A_396 : vector<8x1024xf32>
    %add3A_398 = arith.constant 280 : i32
    %add3A_399 = vector.broadcast %add3A_398 : i32 to vector<8x1024xi32>
    %add3A_400 = arith.addi %iota3A, %add3A_399 : vector<8x1024xi32>
    %le3A_401 = arith.cmpf ole, %select_n3A_391, %add3A_397 : vector<8x1024xf32>
    %select_n3A_402 = arith.select %le3A_401, %select_n3A_391, %add3A_397 : vector<8x1024xi1>, vector<8x1024xf32>
    %select_n3A_403 = arith.select %le3A_401, %select_n3A_392, %add3A_400 : vector<8x1024xi1>, vector<8x1024xi32>
    %slice3A_404 = vector.extract_strided_slice %broadcast_in_dim3A {offsets = [288, 0], sizes = [8, 1], strides = [1, 1]} : vector<1024x1xf32> to vector<8x1xf32>
    %add3A_405 = vector.broadcast %slice3A_404 : vector<8x1xf32> to vector<8x1024xf32>
    %add3A_406 = arith.addf %broadcast_in_dim3A_17, %add3A_405 : vector<8x1024xf32>
    %slice3A_407 = vector.extract_strided_slice %dot_general3A_11 {offsets = [288, 0], sizes = [8, 1024], strides = [1, 1]} : vector<1024x1024xf32> to vector<8x1024xf32>
    %add3A_408 = arith.addf %add3A_406, %slice3A_407 : vector<8x1024xf32>
    %add3A_409 = arith.constant 288 : i32
    %add3A_410 = vector.broadcast %add3A_409 : i32 to vector<8x1024xi32>
    %add3A_411 = arith.addi %iota3A, %add3A_410 : vector<8x1024xi32>
    %le3A_412 = arith.cmpf ole, %select_n3A_402, %add3A_408 : vector<8x1024xf32>
    %select_n3A_413 = arith.select %le3A_412, %select_n3A_402, %add3A_408 : vector<8x1024xi1>, vector<8x1024xf32>
    %select_n3A_414 = arith.select %le3A_412, %select_n3A_403, %add3A_411 : vector<8x1024xi1>, vector<8x1024xi32>
    %slice3A_415 = vector.extract_strided_slice %broadcast_in_dim3A {offsets = [296, 0], sizes = [8, 1], strides = [1, 1]} : vector<1024x1xf32> to vector<8x1xf32>
    %add3A_416 = vector.broadcast %slice3A_415 : vector<8x1xf32> to vector<8x1024xf32>
    %add3A_417 = arith.addf %broadcast_in_dim3A_17, %add3A_416 : vector<8x1024xf32>
    %slice3A_418 = vector.extract_strided_slice %dot_general3A_11 {offsets = [296, 0], sizes = [8, 1024], strides = [1, 1]} : vector<1024x1024xf32> to vector<8x1024xf32>
    %add3A_419 = arith.addf %add3A_417, %slice3A_418 : vector<8x1024xf32>
    %add3A_420 = arith.constant 296 : i32
    %add3A_421 = vector.broadcast %add3A_420 : i32 to vector<8x1024xi32>
    %add3A_422 = arith.addi %iota3A, %add3A_421 : vector<8x1024xi32>
    %le3A_423 = arith.cmpf ole, %select_n3A_413, %add3A_419 : vector<8x1024xf32>
    %select_n3A_424 = arith.select %le3A_423, %select_n3A_413, %add3A_419 : vector<8x1024xi1>, vector<8x1024xf32>
    %select_n3A_425 = arith.select %le3A_423, %select_n3A_414, %add3A_422 : vector<8x1024xi1>, vector<8x1024xi32>
    %slice3A_426 = vector.extract_strided_slice %broadcast_in_dim3A {offsets = [304, 0], sizes = [8, 1], strides = [1, 1]} : vector<1024x1xf32> to vector<8x1xf32>
    %add3A_427 = vector.broadcast %slice3A_426 : vector<8x1xf32> to vector<8x1024xf32>
    %add3A_428 = arith.addf %broadcast_in_dim3A_17, %add3A_427 : vector<8x1024xf32>
    %slice3A_429 = vector.extract_strided_slice %dot_general3A_11 {offsets = [304, 0], sizes = [8, 1024], strides = [1, 1]} : vector<1024x1024xf32> to vector<8x1024xf32>
    %add3A_430 = arith.addf %add3A_428, %slice3A_429 : vector<8x1024xf32>
    %add3A_431 = arith.constant 304 : i32
    %add3A_432 = vector.broadcast %add3A_431 : i32 to vector<8x1024xi32>
    %add3A_433 = arith.addi %iota3A, %add3A_432 : vector<8x1024xi32>
    %le3A_434 = arith.cmpf ole, %select_n3A_424, %add3A_430 : vector<8x1024xf32>
    %select_n3A_435 = arith.select %le3A_434, %select_n3A_424, %add3A_430 : vector<8x1024xi1>, vector<8x1024xf32>
    %select_n3A_436 = arith.select %le3A_434, %select_n3A_425, %add3A_433 : vector<8x1024xi1>, vector<8x1024xi32>
    %slice3A_437 = vector.extract_strided_slice %broadcast_in_dim3A {offsets = [312, 0], sizes = [8, 1], strides = [1, 1]} : vector<1024x1xf32> to vector<8x1xf32>
    %add3A_438 = vector.broadcast %slice3A_437 : vector<8x1xf32> to vector<8x1024xf32>
    %add3A_439 = arith.addf %broadcast_in_dim3A_17, %add3A_438 : vector<8x1024xf32>
    %slice3A_440 = vector.extract_strided_slice %dot_general3A_11 {offsets = [312, 0], sizes = [8, 1024], strides = [1, 1]} : vector<1024x1024xf32> to vector<8x1024xf32>
    %add3A_441 = arith.addf %add3A_439, %slice3A_440 : vector<8x1024xf32>
    %add3A_442 = arith.constant 312 : i32
    %add3A_443 = vector.broadcast %add3A_442 : i32 to vector<8x1024xi32>
    %add3A_444 = arith.addi %iota3A, %add3A_443 : vector<8x1024xi32>
    %le3A_445 = arith.cmpf ole, %select_n3A_435, %add3A_441 : vector<8x1024xf32>
    %select_n3A_446 = arith.select %le3A_445, %select_n3A_435, %add3A_441 : vector<8x1024xi1>, vector<8x1024xf32>
    %select_n3A_447 = arith.select %le3A_445, %select_n3A_436, %add3A_444 : vector<8x1024xi1>, vector<8x1024xi32>
    %slice3A_448 = vector.extract_strided_slice %broadcast_in_dim3A {offsets = [320, 0], sizes = [8, 1], strides = [1, 1]} : vector<1024x1xf32> to vector<8x1xf32>
    %add3A_449 = vector.broadcast %slice3A_448 : vector<8x1xf32> to vector<8x1024xf32>
    %add3A_450 = arith.addf %broadcast_in_dim3A_17, %add3A_449 : vector<8x1024xf32>
    %slice3A_451 = vector.extract_strided_slice %dot_general3A_11 {offsets = [320, 0], sizes = [8, 1024], strides = [1, 1]} : vector<1024x1024xf32> to vector<8x1024xf32>
    %add3A_452 = arith.addf %add3A_450, %slice3A_451 : vector<8x1024xf32>
    %add3A_453 = arith.constant 320 : i32
    %add3A_454 = vector.broadcast %add3A_453 : i32 to vector<8x1024xi32>
    %add3A_455 = arith.addi %iota3A, %add3A_454 : vector<8x1024xi32>
    %le3A_456 = arith.cmpf ole, %select_n3A_446, %add3A_452 : vector<8x1024xf32>
    %select_n3A_457 = arith.select %le3A_456, %select_n3A_446, %add3A_452 : vector<8x1024xi1>, vector<8x1024xf32>
    %select_n3A_458 = arith.select %le3A_456, %select_n3A_447, %add3A_455 : vector<8x1024xi1>, vector<8x1024xi32>
    %slice3A_459 = vector.extract_strided_slice %broadcast_in_dim3A {offsets = [328, 0], sizes = [8, 1], strides = [1, 1]} : vector<1024x1xf32> to vector<8x1xf32>
    %add3A_460 = vector.broadcast %slice3A_459 : vector<8x1xf32> to vector<8x1024xf32>
    %add3A_461 = arith.addf %broadcast_in_dim3A_17, %add3A_460 : vector<8x1024xf32>
    %slice3A_462 = vector.extract_strided_slice %dot_general3A_11 {offsets = [328, 0], sizes = [8, 1024], strides = [1, 1]} : vector<1024x1024xf32> to vector<8x1024xf32>
    %add3A_463 = arith.addf %add3A_461, %slice3A_462 : vector<8x1024xf32>
    %add3A_464 = arith.constant 328 : i32
    %add3A_465 = vector.broadcast %add3A_464 : i32 to vector<8x1024xi32>
    %add3A_466 = arith.addi %iota3A, %add3A_465 : vector<8x1024xi32>
    %le3A_467 = arith.cmpf ole, %select_n3A_457, %add3A_463 : vector<8x1024xf32>
    %select_n3A_468 = arith.select %le3A_467, %select_n3A_457, %add3A_463 : vector<8x1024xi1>, vector<8x1024xf32>
    %select_n3A_469 = arith.select %le3A_467, %select_n3A_458, %add3A_466 : vector<8x1024xi1>, vector<8x1024xi32>
    %slice3A_470 = vector.extract_strided_slice %broadcast_in_dim3A {offsets = [336, 0], sizes = [8, 1], strides = [1, 1]} : vector<1024x1xf32> to vector<8x1xf32>
    %add3A_471 = vector.broadcast %slice3A_470 : vector<8x1xf32> to vector<8x1024xf32>
    %add3A_472 = arith.addf %broadcast_in_dim3A_17, %add3A_471 : vector<8x1024xf32>
    %slice3A_473 = vector.extract_strided_slice %dot_general3A_11 {offsets = [336, 0], sizes = [8, 1024], strides = [1, 1]} : vector<1024x1024xf32> to vector<8x1024xf32>
    %add3A_474 = arith.addf %add3A_472, %slice3A_473 : vector<8x1024xf32>
    %add3A_475 = arith.constant 336 : i32
    %add3A_476 = vector.broadcast %add3A_475 : i32 to vector<8x1024xi32>
    %add3A_477 = arith.addi %iota3A, %add3A_476 : vector<8x1024xi32>
    %le3A_478 = arith.cmpf ole, %select_n3A_468, %add3A_474 : vector<8x1024xf32>
    %select_n3A_479 = arith.select %le3A_478, %select_n3A_468, %add3A_474 : vector<8x1024xi1>, vector<8x1024xf32>
    %select_n3A_480 = arith.select %le3A_478, %select_n3A_469, %add3A_477 : vector<8x1024xi1>, vector<8x1024xi32>
    %slice3A_481 = vector.extract_strided_slice %broadcast_in_dim3A {offsets = [344, 0], sizes = [8, 1], strides = [1, 1]} : vector<1024x1xf32> to vector<8x1xf32>
    %add3A_482 = vector.broadcast %slice3A_481 : vector<8x1xf32> to vector<8x1024xf32>
    %add3A_483 = arith.addf %broadcast_in_dim3A_17, %add3A_482 : vector<8x1024xf32>
    %slice3A_484 = vector.extract_strided_slice %dot_general3A_11 {offsets = [344, 0], sizes = [8, 1024], strides = [1, 1]} : vector<1024x1024xf32> to vector<8x1024xf32>
    %add3A_485 = arith.addf %add3A_483, %slice3A_484 : vector<8x1024xf32>
    %add3A_486 = arith.constant 344 : i32
    %add3A_487 = vector.broadcast %add3A_486 : i32 to vector<8x1024xi32>
    %add3A_488 = arith.addi %iota3A, %add3A_487 : vector<8x1024xi32>
    %le3A_489 = arith.cmpf ole, %select_n3A_479, %add3A_485 : vector<8x1024xf32>
    %select_n3A_490 = arith.select %le3A_489, %select_n3A_479, %add3A_485 : vector<8x1024xi1>, vector<8x1024xf32>
    %select_n3A_491 = arith.select %le3A_489, %select_n3A_480, %add3A_488 : vector<8x1024xi1>, vector<8x1024xi32>
    %slice3A_492 = vector.extract_strided_slice %broadcast_in_dim3A {offsets = [352, 0], sizes = [8, 1], strides = [1, 1]} : vector<1024x1xf32> to vector<8x1xf32>
    %add3A_493 = vector.broadcast %slice3A_492 : vector<8x1xf32> to vector<8x1024xf32>
    %add3A_494 = arith.addf %broadcast_in_dim3A_17, %add3A_493 : vector<8x1024xf32>
    %slice3A_495 = vector.extract_strided_slice %dot_general3A_11 {offsets = [352, 0], sizes = [8, 1024], strides = [1, 1]} : vector<1024x1024xf32> to vector<8x1024xf32>
    %add3A_496 = arith.addf %add3A_494, %slice3A_495 : vector<8x1024xf32>
    %add3A_497 = arith.constant 352 : i32
    %add3A_498 = vector.broadcast %add3A_497 : i32 to vector<8x1024xi32>
    %add3A_499 = arith.addi %iota3A, %add3A_498 : vector<8x1024xi32>
    %le3A_500 = arith.cmpf ole, %select_n3A_490, %add3A_496 : vector<8x1024xf32>
    %select_n3A_501 = arith.select %le3A_500, %select_n3A_490, %add3A_496 : vector<8x1024xi1>, vector<8x1024xf32>
    %select_n3A_502 = arith.select %le3A_500, %select_n3A_491, %add3A_499 : vector<8x1024xi1>, vector<8x1024xi32>
    %slice3A_503 = vector.extract_strided_slice %broadcast_in_dim3A {offsets = [360, 0], sizes = [8, 1], strides = [1, 1]} : vector<1024x1xf32> to vector<8x1xf32>
    %add3A_504 = vector.broadcast %slice3A_503 : vector<8x1xf32> to vector<8x1024xf32>
    %add3A_505 = arith.addf %broadcast_in_dim3A_17, %add3A_504 : vector<8x1024xf32>
    %slice3A_506 = vector.extract_strided_slice %dot_general3A_11 {offsets = [360, 0], sizes = [8, 1024], strides = [1, 1]} : vector<1024x1024xf32> to vector<8x1024xf32>
    %add3A_507 = arith.addf %add3A_505, %slice3A_506 : vector<8x1024xf32>
    %add3A_508 = arith.constant 360 : i32
    %add3A_509 = vector.broadcast %add3A_508 : i32 to vector<8x1024xi32>
    %add3A_510 = arith.addi %iota3A, %add3A_509 : vector<8x1024xi32>
    %le3A_511 = arith.cmpf ole, %select_n3A_501, %add3A_507 : vector<8x1024xf32>
    %select_n3A_512 = arith.select %le3A_511, %select_n3A_501, %add3A_507 : vector<8x1024xi1>, vector<8x1024xf32>
    %select_n3A_513 = arith.select %le3A_511, %select_n3A_502, %add3A_510 : vector<8x1024xi1>, vector<8x1024xi32>
    %slice3A_514 = vector.extract_strided_slice %broadcast_in_dim3A {offsets = [368, 0], sizes = [8, 1], strides = [1, 1]} : vector<1024x1xf32> to vector<8x1xf32>
    %add3A_515 = vector.broadcast %slice3A_514 : vector<8x1xf32> to vector<8x1024xf32>
    %add3A_516 = arith.addf %broadcast_in_dim3A_17, %add3A_515 : vector<8x1024xf32>
    %slice3A_517 = vector.extract_strided_slice %dot_general3A_11 {offsets = [368, 0], sizes = [8, 1024], strides = [1, 1]} : vector<1024x1024xf32> to vector<8x1024xf32>
    %add3A_518 = arith.addf %add3A_516, %slice3A_517 : vector<8x1024xf32>
    %add3A_519 = arith.constant 368 : i32
    %add3A_520 = vector.broadcast %add3A_519 : i32 to vector<8x1024xi32>
    %add3A_521 = arith.addi %iota3A, %add3A_520 : vector<8x1024xi32>
    %le3A_522 = arith.cmpf ole, %select_n3A_512, %add3A_518 : vector<8x1024xf32>
    %select_n3A_523 = arith.select %le3A_522, %select_n3A_512, %add3A_518 : vector<8x1024xi1>, vector<8x1024xf32>
    %select_n3A_524 = arith.select %le3A_522, %select_n3A_513, %add3A_521 : vector<8x1024xi1>, vector<8x1024xi32>
    %slice3A_525 = vector.extract_strided_slice %broadcast_in_dim3A {offsets = [376, 0], sizes = [8, 1], strides = [1, 1]} : vector<1024x1xf32> to vector<8x1xf32>
    %add3A_526 = vector.broadcast %slice3A_525 : vector<8x1xf32> to vector<8x1024xf32>
    %add3A_527 = arith.addf %broadcast_in_dim3A_17, %add3A_526 : vector<8x1024xf32>
    %slice3A_528 = vector.extract_strided_slice %dot_general3A_11 {offsets = [376, 0], sizes = [8, 1024], strides = [1, 1]} : vector<1024x1024xf32> to vector<8x1024xf32>
    %add3A_529 = arith.addf %add3A_527, %slice3A_528 : vector<8x1024xf32>
    %add3A_530 = arith.constant 376 : i32
    %add3A_531 = vector.broadcast %add3A_530 : i32 to vector<8x1024xi32>
    %add3A_532 = arith.addi %iota3A, %add3A_531 : vector<8x1024xi32>
    %le3A_533 = arith.cmpf ole, %select_n3A_523, %add3A_529 : vector<8x1024xf32>
    %select_n3A_534 = arith.select %le3A_533, %select_n3A_523, %add3A_529 : vector<8x1024xi1>, vector<8x1024xf32>
    %select_n3A_535 = arith.select %le3A_533, %select_n3A_524, %add3A_532 : vector<8x1024xi1>, vector<8x1024xi32>
    %slice3A_536 = vector.extract_strided_slice %broadcast_in_dim3A {offsets = [384, 0], sizes = [8, 1], strides = [1, 1]} : vector<1024x1xf32> to vector<8x1xf32>
    %add3A_537 = vector.broadcast %slice3A_536 : vector<8x1xf32> to vector<8x1024xf32>
    %add3A_538 = arith.addf %broadcast_in_dim3A_17, %add3A_537 : vector<8x1024xf32>
    %slice3A_539 = vector.extract_strided_slice %dot_general3A_11 {offsets = [384, 0], sizes = [8, 1024], strides = [1, 1]} : vector<1024x1024xf32> to vector<8x1024xf32>
    %add3A_540 = arith.addf %add3A_538, %slice3A_539 : vector<8x1024xf32>
    %add3A_541 = arith.constant 384 : i32
    %add3A_542 = vector.broadcast %add3A_541 : i32 to vector<8x1024xi32>
    %add3A_543 = arith.addi %iota3A, %add3A_542 : vector<8x1024xi32>
    %le3A_544 = arith.cmpf ole, %select_n3A_534, %add3A_540 : vector<8x1024xf32>
    %select_n3A_545 = arith.select %le3A_544, %select_n3A_534, %add3A_540 : vector<8x1024xi1>, vector<8x1024xf32>
    %select_n3A_546 = arith.select %le3A_544, %select_n3A_535, %add3A_543 : vector<8x1024xi1>, vector<8x1024xi32>
    %slice3A_547 = vector.extract_strided_slice %broadcast_in_dim3A {offsets = [392, 0], sizes = [8, 1], strides = [1, 1]} : vector<1024x1xf32> to vector<8x1xf32>
    %add3A_548 = vector.broadcast %slice3A_547 : vector<8x1xf32> to vector<8x1024xf32>
    %add3A_549 = arith.addf %broadcast_in_dim3A_17, %add3A_548 : vector<8x1024xf32>
    %slice3A_550 = vector.extract_strided_slice %dot_general3A_11 {offsets = [392, 0], sizes = [8, 1024], strides = [1, 1]} : vector<1024x1024xf32> to vector<8x1024xf32>
    %add3A_551 = arith.addf %add3A_549, %slice3A_550 : vector<8x1024xf32>
    %add3A_552 = arith.constant 392 : i32
    %add3A_553 = vector.broadcast %add3A_552 : i32 to vector<8x1024xi32>
    %add3A_554 = arith.addi %iota3A, %add3A_553 : vector<8x1024xi32>
    %le3A_555 = arith.cmpf ole, %select_n3A_545, %add3A_551 : vector<8x1024xf32>
    %select_n3A_556 = arith.select %le3A_555, %select_n3A_545, %add3A_551 : vector<8x1024xi1>, vector<8x1024xf32>
    %select_n3A_557 = arith.select %le3A_555, %select_n3A_546, %add3A_554 : vector<8x1024xi1>, vector<8x1024xi32>
    %slice3A_558 = vector.extract_strided_slice %broadcast_in_dim3A {offsets = [400, 0], sizes = [8, 1], strides = [1, 1]} : vector<1024x1xf32> to vector<8x1xf32>
    %add3A_559 = vector.broadcast %slice3A_558 : vector<8x1xf32> to vector<8x1024xf32>
    %add3A_560 = arith.addf %broadcast_in_dim3A_17, %add3A_559 : vector<8x1024xf32>
    %slice3A_561 = vector.extract_strided_slice %dot_general3A_11 {offsets = [400, 0], sizes = [8, 1024], strides = [1, 1]} : vector<1024x1024xf32> to vector<8x1024xf32>
    %add3A_562 = arith.addf %add3A_560, %slice3A_561 : vector<8x1024xf32>
    %add3A_563 = arith.constant 400 : i32
    %add3A_564 = vector.broadcast %add3A_563 : i32 to vector<8x1024xi32>
    %add3A_565 = arith.addi %iota3A, %add3A_564 : vector<8x1024xi32>
    %le3A_566 = arith.cmpf ole, %select_n3A_556, %add3A_562 : vector<8x1024xf32>
    %select_n3A_567 = arith.select %le3A_566, %select_n3A_556, %add3A_562 : vector<8x1024xi1>, vector<8x1024xf32>
    %select_n3A_568 = arith.select %le3A_566, %select_n3A_557, %add3A_565 : vector<8x1024xi1>, vector<8x1024xi32>
    %slice3A_569 = vector.extract_strided_slice %broadcast_in_dim3A {offsets = [408, 0], sizes = [8, 1], strides = [1, 1]} : vector<1024x1xf32> to vector<8x1xf32>
    %add3A_570 = vector.broadcast %slice3A_569 : vector<8x1xf32> to vector<8x1024xf32>
    %add3A_571 = arith.addf %broadcast_in_dim3A_17, %add3A_570 : vector<8x1024xf32>
    %slice3A_572 = vector.extract_strided_slice %dot_general3A_11 {offsets = [408, 0], sizes = [8, 1024], strides = [1, 1]} : vector<1024x1024xf32> to vector<8x1024xf32>
    %add3A_573 = arith.addf %add3A_571, %slice3A_572 : vector<8x1024xf32>
    %add3A_574 = arith.constant 408 : i32
    %add3A_575 = vector.broadcast %add3A_574 : i32 to vector<8x1024xi32>
    %add3A_576 = arith.addi %iota3A, %add3A_575 : vector<8x1024xi32>
    %le3A_577 = arith.cmpf ole, %select_n3A_567, %add3A_573 : vector<8x1024xf32>
    %select_n3A_578 = arith.select %le3A_577, %select_n3A_567, %add3A_573 : vector<8x1024xi1>, vector<8x1024xf32>
    %select_n3A_579 = arith.select %le3A_577, %select_n3A_568, %add3A_576 : vector<8x1024xi1>, vector<8x1024xi32>
    %slice3A_580 = vector.extract_strided_slice %broadcast_in_dim3A {offsets = [416, 0], sizes = [8, 1], strides = [1, 1]} : vector<1024x1xf32> to vector<8x1xf32>
    %add3A_581 = vector.broadcast %slice3A_580 : vector<8x1xf32> to vector<8x1024xf32>
    %add3A_582 = arith.addf %broadcast_in_dim3A_17, %add3A_581 : vector<8x1024xf32>
    %slice3A_583 = vector.extract_strided_slice %dot_general3A_11 {offsets = [416, 0], sizes = [8, 1024], strides = [1, 1]} : vector<1024x1024xf32> to vector<8x1024xf32>
    %add3A_584 = arith.addf %add3A_582, %slice3A_583 : vector<8x1024xf32>
    %add3A_585 = arith.constant 416 : i32
    %add3A_586 = vector.broadcast %add3A_585 : i32 to vector<8x1024xi32>
    %add3A_587 = arith.addi %iota3A, %add3A_586 : vector<8x1024xi32>
    %le3A_588 = arith.cmpf ole, %select_n3A_578, %add3A_584 : vector<8x1024xf32>
    %select_n3A_589 = arith.select %le3A_588, %select_n3A_578, %add3A_584 : vector<8x1024xi1>, vector<8x1024xf32>
    %select_n3A_590 = arith.select %le3A_588, %select_n3A_579, %add3A_587 : vector<8x1024xi1>, vector<8x1024xi32>
    %slice3A_591 = vector.extract_strided_slice %broadcast_in_dim3A {offsets = [424, 0], sizes = [8, 1], strides = [1, 1]} : vector<1024x1xf32> to vector<8x1xf32>
    %add3A_592 = vector.broadcast %slice3A_591 : vector<8x1xf32> to vector<8x1024xf32>
    %add3A_593 = arith.addf %broadcast_in_dim3A_17, %add3A_592 : vector<8x1024xf32>
    %slice3A_594 = vector.extract_strided_slice %dot_general3A_11 {offsets = [424, 0], sizes = [8, 1024], strides = [1, 1]} : vector<1024x1024xf32> to vector<8x1024xf32>
    %add3A_595 = arith.addf %add3A_593, %slice3A_594 : vector<8x1024xf32>
    %add3A_596 = arith.constant 424 : i32
    %add3A_597 = vector.broadcast %add3A_596 : i32 to vector<8x1024xi32>
    %add3A_598 = arith.addi %iota3A, %add3A_597 : vector<8x1024xi32>
    %le3A_599 = arith.cmpf ole, %select_n3A_589, %add3A_595 : vector<8x1024xf32>
    %select_n3A_600 = arith.select %le3A_599, %select_n3A_589, %add3A_595 : vector<8x1024xi1>, vector<8x1024xf32>
    %select_n3A_601 = arith.select %le3A_599, %select_n3A_590, %add3A_598 : vector<8x1024xi1>, vector<8x1024xi32>
    %slice3A_602 = vector.extract_strided_slice %broadcast_in_dim3A {offsets = [432, 0], sizes = [8, 1], strides = [1, 1]} : vector<1024x1xf32> to vector<8x1xf32>
    %add3A_603 = vector.broadcast %slice3A_602 : vector<8x1xf32> to vector<8x1024xf32>
    %add3A_604 = arith.addf %broadcast_in_dim3A_17, %add3A_603 : vector<8x1024xf32>
    %slice3A_605 = vector.extract_strided_slice %dot_general3A_11 {offsets = [432, 0], sizes = [8, 1024], strides = [1, 1]} : vector<1024x1024xf32> to vector<8x1024xf32>
    %add3A_606 = arith.addf %add3A_604, %slice3A_605 : vector<8x1024xf32>
    %add3A_607 = arith.constant 432 : i32
    %add3A_608 = vector.broadcast %add3A_607 : i32 to vector<8x1024xi32>
    %add3A_609 = arith.addi %iota3A, %add3A_608 : vector<8x1024xi32>
    %le3A_610 = arith.cmpf ole, %select_n3A_600, %add3A_606 : vector<8x1024xf32>
    %select_n3A_611 = arith.select %le3A_610, %select_n3A_600, %add3A_606 : vector<8x1024xi1>, vector<8x1024xf32>
    %select_n3A_612 = arith.select %le3A_610, %select_n3A_601, %add3A_609 : vector<8x1024xi1>, vector<8x1024xi32>
    %slice3A_613 = vector.extract_strided_slice %broadcast_in_dim3A {offsets = [440, 0], sizes = [8, 1], strides = [1, 1]} : vector<1024x1xf32> to vector<8x1xf32>
    %add3A_614 = vector.broadcast %slice3A_613 : vector<8x1xf32> to vector<8x1024xf32>
    %add3A_615 = arith.addf %broadcast_in_dim3A_17, %add3A_614 : vector<8x1024xf32>
    %slice3A_616 = vector.extract_strided_slice %dot_general3A_11 {offsets = [440, 0], sizes = [8, 1024], strides = [1, 1]} : vector<1024x1024xf32> to vector<8x1024xf32>
    %add3A_617 = arith.addf %add3A_615, %slice3A_616 : vector<8x1024xf32>
    %add3A_618 = arith.constant 440 : i32
    %add3A_619 = vector.broadcast %add3A_618 : i32 to vector<8x1024xi32>
    %add3A_620 = arith.addi %iota3A, %add3A_619 : vector<8x1024xi32>
    %le3A_621 = arith.cmpf ole, %select_n3A_611, %add3A_617 : vector<8x1024xf32>
    %select_n3A_622 = arith.select %le3A_621, %select_n3A_611, %add3A_617 : vector<8x1024xi1>, vector<8x1024xf32>
    %select_n3A_623 = arith.select %le3A_621, %select_n3A_612, %add3A_620 : vector<8x1024xi1>, vector<8x1024xi32>
    %slice3A_624 = vector.extract_strided_slice %broadcast_in_dim3A {offsets = [448, 0], sizes = [8, 1], strides = [1, 1]} : vector<1024x1xf32> to vector<8x1xf32>
    %add3A_625 = vector.broadcast %slice3A_624 : vector<8x1xf32> to vector<8x1024xf32>
    %add3A_626 = arith.addf %broadcast_in_dim3A_17, %add3A_625 : vector<8x1024xf32>
    %slice3A_627 = vector.extract_strided_slice %dot_general3A_11 {offsets = [448, 0], sizes = [8, 1024], strides = [1, 1]} : vector<1024x1024xf32> to vector<8x1024xf32>
    %add3A_628 = arith.addf %add3A_626, %slice3A_627 : vector<8x1024xf32>
    %add3A_629 = arith.constant 448 : i32
    %add3A_630 = vector.broadcast %add3A_629 : i32 to vector<8x1024xi32>
    %add3A_631 = arith.addi %iota3A, %add3A_630 : vector<8x1024xi32>
    %le3A_632 = arith.cmpf ole, %select_n3A_622, %add3A_628 : vector<8x1024xf32>
    %select_n3A_633 = arith.select %le3A_632, %select_n3A_622, %add3A_628 : vector<8x1024xi1>, vector<8x1024xf32>
    %select_n3A_634 = arith.select %le3A_632, %select_n3A_623, %add3A_631 : vector<8x1024xi1>, vector<8x1024xi32>
    %slice3A_635 = vector.extract_strided_slice %broadcast_in_dim3A {offsets = [456, 0], sizes = [8, 1], strides = [1, 1]} : vector<1024x1xf32> to vector<8x1xf32>
    %add3A_636 = vector.broadcast %slice3A_635 : vector<8x1xf32> to vector<8x1024xf32>
    %add3A_637 = arith.addf %broadcast_in_dim3A_17, %add3A_636 : vector<8x1024xf32>
    %slice3A_638 = vector.extract_strided_slice %dot_general3A_11 {offsets = [456, 0], sizes = [8, 1024], strides = [1, 1]} : vector<1024x1024xf32> to vector<8x1024xf32>
    %add3A_639 = arith.addf %add3A_637, %slice3A_638 : vector<8x1024xf32>
    %add3A_640 = arith.constant 456 : i32
    %add3A_641 = vector.broadcast %add3A_640 : i32 to vector<8x1024xi32>
    %add3A_642 = arith.addi %iota3A, %add3A_641 : vector<8x1024xi32>
    %le3A_643 = arith.cmpf ole, %select_n3A_633, %add3A_639 : vector<8x1024xf32>
    %select_n3A_644 = arith.select %le3A_643, %select_n3A_633, %add3A_639 : vector<8x1024xi1>, vector<8x1024xf32>
    %select_n3A_645 = arith.select %le3A_643, %select_n3A_634, %add3A_642 : vector<8x1024xi1>, vector<8x1024xi32>
    %slice3A_646 = vector.extract_strided_slice %broadcast_in_dim3A {offsets = [464, 0], sizes = [8, 1], strides = [1, 1]} : vector<1024x1xf32> to vector<8x1xf32>
    %add3A_647 = vector.broadcast %slice3A_646 : vector<8x1xf32> to vector<8x1024xf32>
    %add3A_648 = arith.addf %broadcast_in_dim3A_17, %add3A_647 : vector<8x1024xf32>
    %slice3A_649 = vector.extract_strided_slice %dot_general3A_11 {offsets = [464, 0], sizes = [8, 1024], strides = [1, 1]} : vector<1024x1024xf32> to vector<8x1024xf32>
    %add3A_650 = arith.addf %add3A_648, %slice3A_649 : vector<8x1024xf32>
    %add3A_651 = arith.constant 464 : i32
    %add3A_652 = vector.broadcast %add3A_651 : i32 to vector<8x1024xi32>
    %add3A_653 = arith.addi %iota3A, %add3A_652 : vector<8x1024xi32>
    %le3A_654 = arith.cmpf ole, %select_n3A_644, %add3A_650 : vector<8x1024xf32>
    %select_n3A_655 = arith.select %le3A_654, %select_n3A_644, %add3A_650 : vector<8x1024xi1>, vector<8x1024xf32>
    %select_n3A_656 = arith.select %le3A_654, %select_n3A_645, %add3A_653 : vector<8x1024xi1>, vector<8x1024xi32>
    %slice3A_657 = vector.extract_strided_slice %broadcast_in_dim3A {offsets = [472, 0], sizes = [8, 1], strides = [1, 1]} : vector<1024x1xf32> to vector<8x1xf32>
    %add3A_658 = vector.broadcast %slice3A_657 : vector<8x1xf32> to vector<8x1024xf32>
    %add3A_659 = arith.addf %broadcast_in_dim3A_17, %add3A_658 : vector<8x1024xf32>
    %slice3A_660 = vector.extract_strided_slice %dot_general3A_11 {offsets = [472, 0], sizes = [8, 1024], strides = [1, 1]} : vector<1024x1024xf32> to vector<8x1024xf32>
    %add3A_661 = arith.addf %add3A_659, %slice3A_660 : vector<8x1024xf32>
    %add3A_662 = arith.constant 472 : i32
    %add3A_663 = vector.broadcast %add3A_662 : i32 to vector<8x1024xi32>
    %add3A_664 = arith.addi %iota3A, %add3A_663 : vector<8x1024xi32>
    %le3A_665 = arith.cmpf ole, %select_n3A_655, %add3A_661 : vector<8x1024xf32>
    %select_n3A_666 = arith.select %le3A_665, %select_n3A_655, %add3A_661 : vector<8x1024xi1>, vector<8x1024xf32>
    %select_n3A_667 = arith.select %le3A_665, %select_n3A_656, %add3A_664 : vector<8x1024xi1>, vector<8x1024xi32>
    %slice3A_668 = vector.extract_strided_slice %broadcast_in_dim3A {offsets = [480, 0], sizes = [8, 1], strides = [1, 1]} : vector<1024x1xf32> to vector<8x1xf32>
    %add3A_669 = vector.broadcast %slice3A_668 : vector<8x1xf32> to vector<8x1024xf32>
    %add3A_670 = arith.addf %broadcast_in_dim3A_17, %add3A_669 : vector<8x1024xf32>
    %slice3A_671 = vector.extract_strided_slice %dot_general3A_11 {offsets = [480, 0], sizes = [8, 1024], strides = [1, 1]} : vector<1024x1024xf32> to vector<8x1024xf32>
    %add3A_672 = arith.addf %add3A_670, %slice3A_671 : vector<8x1024xf32>
    %add3A_673 = arith.constant 480 : i32
    %add3A_674 = vector.broadcast %add3A_673 : i32 to vector<8x1024xi32>
    %add3A_675 = arith.addi %iota3A, %add3A_674 : vector<8x1024xi32>
    %le3A_676 = arith.cmpf ole, %select_n3A_666, %add3A_672 : vector<8x1024xf32>
    %select_n3A_677 = arith.select %le3A_676, %select_n3A_666, %add3A_672 : vector<8x1024xi1>, vector<8x1024xf32>
    %select_n3A_678 = arith.select %le3A_676, %select_n3A_667, %add3A_675 : vector<8x1024xi1>, vector<8x1024xi32>
    %slice3A_679 = vector.extract_strided_slice %broadcast_in_dim3A {offsets = [488, 0], sizes = [8, 1], strides = [1, 1]} : vector<1024x1xf32> to vector<8x1xf32>
    %add3A_680 = vector.broadcast %slice3A_679 : vector<8x1xf32> to vector<8x1024xf32>
    %add3A_681 = arith.addf %broadcast_in_dim3A_17, %add3A_680 : vector<8x1024xf32>
    %slice3A_682 = vector.extract_strided_slice %dot_general3A_11 {offsets = [488, 0], sizes = [8, 1024], strides = [1, 1]} : vector<1024x1024xf32> to vector<8x1024xf32>
    %add3A_683 = arith.addf %add3A_681, %slice3A_682 : vector<8x1024xf32>
    %add3A_684 = arith.constant 488 : i32
    %add3A_685 = vector.broadcast %add3A_684 : i32 to vector<8x1024xi32>
    %add3A_686 = arith.addi %iota3A, %add3A_685 : vector<8x1024xi32>
    %le3A_687 = arith.cmpf ole, %select_n3A_677, %add3A_683 : vector<8x1024xf32>
    %select_n3A_688 = arith.select %le3A_687, %select_n3A_677, %add3A_683 : vector<8x1024xi1>, vector<8x1024xf32>
    %select_n3A_689 = arith.select %le3A_687, %select_n3A_678, %add3A_686 : vector<8x1024xi1>, vector<8x1024xi32>
    %slice3A_690 = vector.extract_strided_slice %broadcast_in_dim3A {offsets = [496, 0], sizes = [8, 1], strides = [1, 1]} : vector<1024x1xf32> to vector<8x1xf32>
    %add3A_691 = vector.broadcast %slice3A_690 : vector<8x1xf32> to vector<8x1024xf32>
    %add3A_692 = arith.addf %broadcast_in_dim3A_17, %add3A_691 : vector<8x1024xf32>
    %slice3A_693 = vector.extract_strided_slice %dot_general3A_11 {offsets = [496, 0], sizes = [8, 1024], strides = [1, 1]} : vector<1024x1024xf32> to vector<8x1024xf32>
    %add3A_694 = arith.addf %add3A_692, %slice3A_693 : vector<8x1024xf32>
    %add3A_695 = arith.constant 496 : i32
    %add3A_696 = vector.broadcast %add3A_695 : i32 to vector<8x1024xi32>
    %add3A_697 = arith.addi %iota3A, %add3A_696 : vector<8x1024xi32>
    %le3A_698 = arith.cmpf ole, %select_n3A_688, %add3A_694 : vector<8x1024xf32>
    %select_n3A_699 = arith.select %le3A_698, %select_n3A_688, %add3A_694 : vector<8x1024xi1>, vector<8x1024xf32>
    %select_n3A_700 = arith.select %le3A_698, %select_n3A_689, %add3A_697 : vector<8x1024xi1>, vector<8x1024xi32>
    %slice3A_701 = vector.extract_strided_slice %broadcast_in_dim3A {offsets = [504, 0], sizes = [8, 1], strides = [1, 1]} : vector<1024x1xf32> to vector<8x1xf32>
    %add3A_702 = vector.broadcast %slice3A_701 : vector<8x1xf32> to vector<8x1024xf32>
    %add3A_703 = arith.addf %broadcast_in_dim3A_17, %add3A_702 : vector<8x1024xf32>
    %slice3A_704 = vector.extract_strided_slice %dot_general3A_11 {offsets = [504, 0], sizes = [8, 1024], strides = [1, 1]} : vector<1024x1024xf32> to vector<8x1024xf32>
    %add3A_705 = arith.addf %add3A_703, %slice3A_704 : vector<8x1024xf32>
    %add3A_706 = arith.constant 504 : i32
    %add3A_707 = vector.broadcast %add3A_706 : i32 to vector<8x1024xi32>
    %add3A_708 = arith.addi %iota3A, %add3A_707 : vector<8x1024xi32>
    %le3A_709 = arith.cmpf ole, %select_n3A_699, %add3A_705 : vector<8x1024xf32>
    %select_n3A_710 = arith.select %le3A_709, %select_n3A_699, %add3A_705 : vector<8x1024xi1>, vector<8x1024xf32>
    %select_n3A_711 = arith.select %le3A_709, %select_n3A_700, %add3A_708 : vector<8x1024xi1>, vector<8x1024xi32>
    %slice3A_712 = vector.extract_strided_slice %broadcast_in_dim3A {offsets = [512, 0], sizes = [8, 1], strides = [1, 1]} : vector<1024x1xf32> to vector<8x1xf32>
    %add3A_713 = vector.broadcast %slice3A_712 : vector<8x1xf32> to vector<8x1024xf32>
    %add3A_714 = arith.addf %broadcast_in_dim3A_17, %add3A_713 : vector<8x1024xf32>
    %slice3A_715 = vector.extract_strided_slice %dot_general3A_11 {offsets = [512, 0], sizes = [8, 1024], strides = [1, 1]} : vector<1024x1024xf32> to vector<8x1024xf32>
    %add3A_716 = arith.addf %add3A_714, %slice3A_715 : vector<8x1024xf32>
    %add3A_717 = arith.constant 512 : i32
    %add3A_718 = vector.broadcast %add3A_717 : i32 to vector<8x1024xi32>
    %add3A_719 = arith.addi %iota3A, %add3A_718 : vector<8x1024xi32>
    %slice3A_720 = vector.extract_strided_slice %broadcast_in_dim3A {offsets = [520, 0], sizes = [8, 1], strides = [1, 1]} : vector<1024x1xf32> to vector<8x1xf32>
    %add3A_721 = vector.broadcast %slice3A_720 : vector<8x1xf32> to vector<8x1024xf32>
    %add3A_722 = arith.addf %broadcast_in_dim3A_17, %add3A_721 : vector<8x1024xf32>
    %slice3A_723 = vector.extract_strided_slice %dot_general3A_11 {offsets = [520, 0], sizes = [8, 1024], strides = [1, 1]} : vector<1024x1024xf32> to vector<8x1024xf32>
    %add3A_724 = arith.addf %add3A_722, %slice3A_723 : vector<8x1024xf32>
    %add3A_725 = arith.constant 520 : i32
    %add3A_726 = vector.broadcast %add3A_725 : i32 to vector<8x1024xi32>
    %add3A_727 = arith.addi %iota3A, %add3A_726 : vector<8x1024xi32>
    %le3A_728 = arith.cmpf ole, %add3A_716, %add3A_724 : vector<8x1024xf32>
    %select_n3A_729 = arith.select %le3A_728, %add3A_716, %add3A_724 : vector<8x1024xi1>, vector<8x1024xf32>
    %select_n3A_730 = arith.select %le3A_728, %add3A_719, %add3A_727 : vector<8x1024xi1>, vector<8x1024xi32>
    %slice3A_731 = vector.extract_strided_slice %broadcast_in_dim3A {offsets = [528, 0], sizes = [8, 1], strides = [1, 1]} : vector<1024x1xf32> to vector<8x1xf32>
    %add3A_732 = vector.broadcast %slice3A_731 : vector<8x1xf32> to vector<8x1024xf32>
    %add3A_733 = arith.addf %broadcast_in_dim3A_17, %add3A_732 : vector<8x1024xf32>
    %slice3A_734 = vector.extract_strided_slice %dot_general3A_11 {offsets = [528, 0], sizes = [8, 1024], strides = [1, 1]} : vector<1024x1024xf32> to vector<8x1024xf32>
    %add3A_735 = arith.addf %add3A_733, %slice3A_734 : vector<8x1024xf32>
    %add3A_736 = arith.constant 528 : i32
    %add3A_737 = vector.broadcast %add3A_736 : i32 to vector<8x1024xi32>
    %add3A_738 = arith.addi %iota3A, %add3A_737 : vector<8x1024xi32>
    %le3A_739 = arith.cmpf ole, %select_n3A_729, %add3A_735 : vector<8x1024xf32>
    %select_n3A_740 = arith.select %le3A_739, %select_n3A_729, %add3A_735 : vector<8x1024xi1>, vector<8x1024xf32>
    %select_n3A_741 = arith.select %le3A_739, %select_n3A_730, %add3A_738 : vector<8x1024xi1>, vector<8x1024xi32>
    %slice3A_742 = vector.extract_strided_slice %broadcast_in_dim3A {offsets = [536, 0], sizes = [8, 1], strides = [1, 1]} : vector<1024x1xf32> to vector<8x1xf32>
    %add3A_743 = vector.broadcast %slice3A_742 : vector<8x1xf32> to vector<8x1024xf32>
    %add3A_744 = arith.addf %broadcast_in_dim3A_17, %add3A_743 : vector<8x1024xf32>
    %slice3A_745 = vector.extract_strided_slice %dot_general3A_11 {offsets = [536, 0], sizes = [8, 1024], strides = [1, 1]} : vector<1024x1024xf32> to vector<8x1024xf32>
    %add3A_746 = arith.addf %add3A_744, %slice3A_745 : vector<8x1024xf32>
    %add3A_747 = arith.constant 536 : i32
    %add3A_748 = vector.broadcast %add3A_747 : i32 to vector<8x1024xi32>
    %add3A_749 = arith.addi %iota3A, %add3A_748 : vector<8x1024xi32>
    %le3A_750 = arith.cmpf ole, %select_n3A_740, %add3A_746 : vector<8x1024xf32>
    %select_n3A_751 = arith.select %le3A_750, %select_n3A_740, %add3A_746 : vector<8x1024xi1>, vector<8x1024xf32>
    %select_n3A_752 = arith.select %le3A_750, %select_n3A_741, %add3A_749 : vector<8x1024xi1>, vector<8x1024xi32>
    %slice3A_753 = vector.extract_strided_slice %broadcast_in_dim3A {offsets = [544, 0], sizes = [8, 1], strides = [1, 1]} : vector<1024x1xf32> to vector<8x1xf32>
    %add3A_754 = vector.broadcast %slice3A_753 : vector<8x1xf32> to vector<8x1024xf32>
    %add3A_755 = arith.addf %broadcast_in_dim3A_17, %add3A_754 : vector<8x1024xf32>
    %slice3A_756 = vector.extract_strided_slice %dot_general3A_11 {offsets = [544, 0], sizes = [8, 1024], strides = [1, 1]} : vector<1024x1024xf32> to vector<8x1024xf32>
    %add3A_757 = arith.addf %add3A_755, %slice3A_756 : vector<8x1024xf32>
    %add3A_758 = arith.constant 544 : i32
    %add3A_759 = vector.broadcast %add3A_758 : i32 to vector<8x1024xi32>
    %add3A_760 = arith.addi %iota3A, %add3A_759 : vector<8x1024xi32>
    %le3A_761 = arith.cmpf ole, %select_n3A_751, %add3A_757 : vector<8x1024xf32>
    %select_n3A_762 = arith.select %le3A_761, %select_n3A_751, %add3A_757 : vector<8x1024xi1>, vector<8x1024xf32>
    %select_n3A_763 = arith.select %le3A_761, %select_n3A_752, %add3A_760 : vector<8x1024xi1>, vector<8x1024xi32>
    %slice3A_764 = vector.extract_strided_slice %broadcast_in_dim3A {offsets = [552, 0], sizes = [8, 1], strides = [1, 1]} : vector<1024x1xf32> to vector<8x1xf32>
    %add3A_765 = vector.broadcast %slice3A_764 : vector<8x1xf32> to vector<8x1024xf32>
    %add3A_766 = arith.addf %broadcast_in_dim3A_17, %add3A_765 : vector<8x1024xf32>
    %slice3A_767 = vector.extract_strided_slice %dot_general3A_11 {offsets = [552, 0], sizes = [8, 1024], strides = [1, 1]} : vector<1024x1024xf32> to vector<8x1024xf32>
    %add3A_768 = arith.addf %add3A_766, %slice3A_767 : vector<8x1024xf32>
    %add3A_769 = arith.constant 552 : i32
    %add3A_770 = vector.broadcast %add3A_769 : i32 to vector<8x1024xi32>
    %add3A_771 = arith.addi %iota3A, %add3A_770 : vector<8x1024xi32>
    %le3A_772 = arith.cmpf ole, %select_n3A_762, %add3A_768 : vector<8x1024xf32>
    %select_n3A_773 = arith.select %le3A_772, %select_n3A_762, %add3A_768 : vector<8x1024xi1>, vector<8x1024xf32>
    %select_n3A_774 = arith.select %le3A_772, %select_n3A_763, %add3A_771 : vector<8x1024xi1>, vector<8x1024xi32>
    %slice3A_775 = vector.extract_strided_slice %broadcast_in_dim3A {offsets = [560, 0], sizes = [8, 1], strides = [1, 1]} : vector<1024x1xf32> to vector<8x1xf32>
    %add3A_776 = vector.broadcast %slice3A_775 : vector<8x1xf32> to vector<8x1024xf32>
    %add3A_777 = arith.addf %broadcast_in_dim3A_17, %add3A_776 : vector<8x1024xf32>
    %slice3A_778 = vector.extract_strided_slice %dot_general3A_11 {offsets = [560, 0], sizes = [8, 1024], strides = [1, 1]} : vector<1024x1024xf32> to vector<8x1024xf32>
    %add3A_779 = arith.addf %add3A_777, %slice3A_778 : vector<8x1024xf32>
    %add3A_780 = arith.constant 560 : i32
    %add3A_781 = vector.broadcast %add3A_780 : i32 to vector<8x1024xi32>
    %add3A_782 = arith.addi %iota3A, %add3A_781 : vector<8x1024xi32>
    %le3A_783 = arith.cmpf ole, %select_n3A_773, %add3A_779 : vector<8x1024xf32>
    %select_n3A_784 = arith.select %le3A_783, %select_n3A_773, %add3A_779 : vector<8x1024xi1>, vector<8x1024xf32>
    %select_n3A_785 = arith.select %le3A_783, %select_n3A_774, %add3A_782 : vector<8x1024xi1>, vector<8x1024xi32>
    %slice3A_786 = vector.extract_strided_slice %broadcast_in_dim3A {offsets = [568, 0], sizes = [8, 1], strides = [1, 1]} : vector<1024x1xf32> to vector<8x1xf32>
    %add3A_787 = vector.broadcast %slice3A_786 : vector<8x1xf32> to vector<8x1024xf32>
    %add3A_788 = arith.addf %broadcast_in_dim3A_17, %add3A_787 : vector<8x1024xf32>
    %slice3A_789 = vector.extract_strided_slice %dot_general3A_11 {offsets = [568, 0], sizes = [8, 1024], strides = [1, 1]} : vector<1024x1024xf32> to vector<8x1024xf32>
    %add3A_790 = arith.addf %add3A_788, %slice3A_789 : vector<8x1024xf32>
    %add3A_791 = arith.constant 568 : i32
    %add3A_792 = vector.broadcast %add3A_791 : i32 to vector<8x1024xi32>
    %add3A_793 = arith.addi %iota3A, %add3A_792 : vector<8x1024xi32>
    %le3A_794 = arith.cmpf ole, %select_n3A_784, %add3A_790 : vector<8x1024xf32>
    %select_n3A_795 = arith.select %le3A_794, %select_n3A_784, %add3A_790 : vector<8x1024xi1>, vector<8x1024xf32>
    %select_n3A_796 = arith.select %le3A_794, %select_n3A_785, %add3A_793 : vector<8x1024xi1>, vector<8x1024xi32>
    %slice3A_797 = vector.extract_strided_slice %broadcast_in_dim3A {offsets = [576, 0], sizes = [8, 1], strides = [1, 1]} : vector<1024x1xf32> to vector<8x1xf32>
    %add3A_798 = vector.broadcast %slice3A_797 : vector<8x1xf32> to vector<8x1024xf32>
    %add3A_799 = arith.addf %broadcast_in_dim3A_17, %add3A_798 : vector<8x1024xf32>
    %slice3A_800 = vector.extract_strided_slice %dot_general3A_11 {offsets = [576, 0], sizes = [8, 1024], strides = [1, 1]} : vector<1024x1024xf32> to vector<8x1024xf32>
    %add3A_801 = arith.addf %add3A_799, %slice3A_800 : vector<8x1024xf32>
    %add3A_802 = arith.constant 576 : i32
    %add3A_803 = vector.broadcast %add3A_802 : i32 to vector<8x1024xi32>
    %add3A_804 = arith.addi %iota3A, %add3A_803 : vector<8x1024xi32>
    %le3A_805 = arith.cmpf ole, %select_n3A_795, %add3A_801 : vector<8x1024xf32>
    %select_n3A_806 = arith.select %le3A_805, %select_n3A_795, %add3A_801 : vector<8x1024xi1>, vector<8x1024xf32>
    %select_n3A_807 = arith.select %le3A_805, %select_n3A_796, %add3A_804 : vector<8x1024xi1>, vector<8x1024xi32>
    %slice3A_808 = vector.extract_strided_slice %broadcast_in_dim3A {offsets = [584, 0], sizes = [8, 1], strides = [1, 1]} : vector<1024x1xf32> to vector<8x1xf32>
    %add3A_809 = vector.broadcast %slice3A_808 : vector<8x1xf32> to vector<8x1024xf32>
    %add3A_810 = arith.addf %broadcast_in_dim3A_17, %add3A_809 : vector<8x1024xf32>
    %slice3A_811 = vector.extract_strided_slice %dot_general3A_11 {offsets = [584, 0], sizes = [8, 1024], strides = [1, 1]} : vector<1024x1024xf32> to vector<8x1024xf32>
    %add3A_812 = arith.addf %add3A_810, %slice3A_811 : vector<8x1024xf32>
    %add3A_813 = arith.constant 584 : i32
    %add3A_814 = vector.broadcast %add3A_813 : i32 to vector<8x1024xi32>
    %add3A_815 = arith.addi %iota3A, %add3A_814 : vector<8x1024xi32>
    %le3A_816 = arith.cmpf ole, %select_n3A_806, %add3A_812 : vector<8x1024xf32>
    %select_n3A_817 = arith.select %le3A_816, %select_n3A_806, %add3A_812 : vector<8x1024xi1>, vector<8x1024xf32>
    %select_n3A_818 = arith.select %le3A_816, %select_n3A_807, %add3A_815 : vector<8x1024xi1>, vector<8x1024xi32>
    %slice3A_819 = vector.extract_strided_slice %broadcast_in_dim3A {offsets = [592, 0], sizes = [8, 1], strides = [1, 1]} : vector<1024x1xf32> to vector<8x1xf32>
    %add3A_820 = vector.broadcast %slice3A_819 : vector<8x1xf32> to vector<8x1024xf32>
    %add3A_821 = arith.addf %broadcast_in_dim3A_17, %add3A_820 : vector<8x1024xf32>
    %slice3A_822 = vector.extract_strided_slice %dot_general3A_11 {offsets = [592, 0], sizes = [8, 1024], strides = [1, 1]} : vector<1024x1024xf32> to vector<8x1024xf32>
    %add3A_823 = arith.addf %add3A_821, %slice3A_822 : vector<8x1024xf32>
    %add3A_824 = arith.constant 592 : i32
    %add3A_825 = vector.broadcast %add3A_824 : i32 to vector<8x1024xi32>
    %add3A_826 = arith.addi %iota3A, %add3A_825 : vector<8x1024xi32>
    %le3A_827 = arith.cmpf ole, %select_n3A_817, %add3A_823 : vector<8x1024xf32>
    %select_n3A_828 = arith.select %le3A_827, %select_n3A_817, %add3A_823 : vector<8x1024xi1>, vector<8x1024xf32>
    %select_n3A_829 = arith.select %le3A_827, %select_n3A_818, %add3A_826 : vector<8x1024xi1>, vector<8x1024xi32>
    %slice3A_830 = vector.extract_strided_slice %broadcast_in_dim3A {offsets = [600, 0], sizes = [8, 1], strides = [1, 1]} : vector<1024x1xf32> to vector<8x1xf32>
    %add3A_831 = vector.broadcast %slice3A_830 : vector<8x1xf32> to vector<8x1024xf32>
    %add3A_832 = arith.addf %broadcast_in_dim3A_17, %add3A_831 : vector<8x1024xf32>
    %slice3A_833 = vector.extract_strided_slice %dot_general3A_11 {offsets = [600, 0], sizes = [8, 1024], strides = [1, 1]} : vector<1024x1024xf32> to vector<8x1024xf32>
    %add3A_834 = arith.addf %add3A_832, %slice3A_833 : vector<8x1024xf32>
    %add3A_835 = arith.constant 600 : i32
    %add3A_836 = vector.broadcast %add3A_835 : i32 to vector<8x1024xi32>
    %add3A_837 = arith.addi %iota3A, %add3A_836 : vector<8x1024xi32>
    %le3A_838 = arith.cmpf ole, %select_n3A_828, %add3A_834 : vector<8x1024xf32>
    %select_n3A_839 = arith.select %le3A_838, %select_n3A_828, %add3A_834 : vector<8x1024xi1>, vector<8x1024xf32>
    %select_n3A_840 = arith.select %le3A_838, %select_n3A_829, %add3A_837 : vector<8x1024xi1>, vector<8x1024xi32>
    %slice3A_841 = vector.extract_strided_slice %broadcast_in_dim3A {offsets = [608, 0], sizes = [8, 1], strides = [1, 1]} : vector<1024x1xf32> to vector<8x1xf32>
    %add3A_842 = vector.broadcast %slice3A_841 : vector<8x1xf32> to vector<8x1024xf32>
    %add3A_843 = arith.addf %broadcast_in_dim3A_17, %add3A_842 : vector<8x1024xf32>
    %slice3A_844 = vector.extract_strided_slice %dot_general3A_11 {offsets = [608, 0], sizes = [8, 1024], strides = [1, 1]} : vector<1024x1024xf32> to vector<8x1024xf32>
    %add3A_845 = arith.addf %add3A_843, %slice3A_844 : vector<8x1024xf32>
    %add3A_846 = arith.constant 608 : i32
    %add3A_847 = vector.broadcast %add3A_846 : i32 to vector<8x1024xi32>
    %add3A_848 = arith.addi %iota3A, %add3A_847 : vector<8x1024xi32>
    %le3A_849 = arith.cmpf ole, %select_n3A_839, %add3A_845 : vector<8x1024xf32>
    %select_n3A_850 = arith.select %le3A_849, %select_n3A_839, %add3A_845 : vector<8x1024xi1>, vector<8x1024xf32>
    %select_n3A_851 = arith.select %le3A_849, %select_n3A_840, %add3A_848 : vector<8x1024xi1>, vector<8x1024xi32>
    %slice3A_852 = vector.extract_strided_slice %broadcast_in_dim3A {offsets = [616, 0], sizes = [8, 1], strides = [1, 1]} : vector<1024x1xf32> to vector<8x1xf32>
    %add3A_853 = vector.broadcast %slice3A_852 : vector<8x1xf32> to vector<8x1024xf32>
    %add3A_854 = arith.addf %broadcast_in_dim3A_17, %add3A_853 : vector<8x1024xf32>
    %slice3A_855 = vector.extract_strided_slice %dot_general3A_11 {offsets = [616, 0], sizes = [8, 1024], strides = [1, 1]} : vector<1024x1024xf32> to vector<8x1024xf32>
    %add3A_856 = arith.addf %add3A_854, %slice3A_855 : vector<8x1024xf32>
    %add3A_857 = arith.constant 616 : i32
    %add3A_858 = vector.broadcast %add3A_857 : i32 to vector<8x1024xi32>
    %add3A_859 = arith.addi %iota3A, %add3A_858 : vector<8x1024xi32>
    %le3A_860 = arith.cmpf ole, %select_n3A_850, %add3A_856 : vector<8x1024xf32>
    %select_n3A_861 = arith.select %le3A_860, %select_n3A_850, %add3A_856 : vector<8x1024xi1>, vector<8x1024xf32>
    %select_n3A_862 = arith.select %le3A_860, %select_n3A_851, %add3A_859 : vector<8x1024xi1>, vector<8x1024xi32>
    %slice3A_863 = vector.extract_strided_slice %broadcast_in_dim3A {offsets = [624, 0], sizes = [8, 1], strides = [1, 1]} : vector<1024x1xf32> to vector<8x1xf32>
    %add3A_864 = vector.broadcast %slice3A_863 : vector<8x1xf32> to vector<8x1024xf32>
    %add3A_865 = arith.addf %broadcast_in_dim3A_17, %add3A_864 : vector<8x1024xf32>
    %slice3A_866 = vector.extract_strided_slice %dot_general3A_11 {offsets = [624, 0], sizes = [8, 1024], strides = [1, 1]} : vector<1024x1024xf32> to vector<8x1024xf32>
    %add3A_867 = arith.addf %add3A_865, %slice3A_866 : vector<8x1024xf32>
    %add3A_868 = arith.constant 624 : i32
    %add3A_869 = vector.broadcast %add3A_868 : i32 to vector<8x1024xi32>
    %add3A_870 = arith.addi %iota3A, %add3A_869 : vector<8x1024xi32>
    %le3A_871 = arith.cmpf ole, %select_n3A_861, %add3A_867 : vector<8x1024xf32>
    %select_n3A_872 = arith.select %le3A_871, %select_n3A_861, %add3A_867 : vector<8x1024xi1>, vector<8x1024xf32>
    %select_n3A_873 = arith.select %le3A_871, %select_n3A_862, %add3A_870 : vector<8x1024xi1>, vector<8x1024xi32>
    %slice3A_874 = vector.extract_strided_slice %broadcast_in_dim3A {offsets = [632, 0], sizes = [8, 1], strides = [1, 1]} : vector<1024x1xf32> to vector<8x1xf32>
    %add3A_875 = vector.broadcast %slice3A_874 : vector<8x1xf32> to vector<8x1024xf32>
    %add3A_876 = arith.addf %broadcast_in_dim3A_17, %add3A_875 : vector<8x1024xf32>
    %slice3A_877 = vector.extract_strided_slice %dot_general3A_11 {offsets = [632, 0], sizes = [8, 1024], strides = [1, 1]} : vector<1024x1024xf32> to vector<8x1024xf32>
    %add3A_878 = arith.addf %add3A_876, %slice3A_877 : vector<8x1024xf32>
    %add3A_879 = arith.constant 632 : i32
    %add3A_880 = vector.broadcast %add3A_879 : i32 to vector<8x1024xi32>
    %add3A_881 = arith.addi %iota3A, %add3A_880 : vector<8x1024xi32>
    %le3A_882 = arith.cmpf ole, %select_n3A_872, %add3A_878 : vector<8x1024xf32>
    %select_n3A_883 = arith.select %le3A_882, %select_n3A_872, %add3A_878 : vector<8x1024xi1>, vector<8x1024xf32>
    %select_n3A_884 = arith.select %le3A_882, %select_n3A_873, %add3A_881 : vector<8x1024xi1>, vector<8x1024xi32>
    %slice3A_885 = vector.extract_strided_slice %broadcast_in_dim3A {offsets = [640, 0], sizes = [8, 1], strides = [1, 1]} : vector<1024x1xf32> to vector<8x1xf32>
    %add3A_886 = vector.broadcast %slice3A_885 : vector<8x1xf32> to vector<8x1024xf32>
    %add3A_887 = arith.addf %broadcast_in_dim3A_17, %add3A_886 : vector<8x1024xf32>
    %slice3A_888 = vector.extract_strided_slice %dot_general3A_11 {offsets = [640, 0], sizes = [8, 1024], strides = [1, 1]} : vector<1024x1024xf32> to vector<8x1024xf32>
    %add3A_889 = arith.addf %add3A_887, %slice3A_888 : vector<8x1024xf32>
    %add3A_890 = arith.constant 640 : i32
    %add3A_891 = vector.broadcast %add3A_890 : i32 to vector<8x1024xi32>
    %add3A_892 = arith.addi %iota3A, %add3A_891 : vector<8x1024xi32>
    %le3A_893 = arith.cmpf ole, %select_n3A_883, %add3A_889 : vector<8x1024xf32>
    %select_n3A_894 = arith.select %le3A_893, %select_n3A_883, %add3A_889 : vector<8x1024xi1>, vector<8x1024xf32>
    %select_n3A_895 = arith.select %le3A_893, %select_n3A_884, %add3A_892 : vector<8x1024xi1>, vector<8x1024xi32>
    %slice3A_896 = vector.extract_strided_slice %broadcast_in_dim3A {offsets = [648, 0], sizes = [8, 1], strides = [1, 1]} : vector<1024x1xf32> to vector<8x1xf32>
    %add3A_897 = vector.broadcast %slice3A_896 : vector<8x1xf32> to vector<8x1024xf32>
    %add3A_898 = arith.addf %broadcast_in_dim3A_17, %add3A_897 : vector<8x1024xf32>
    %slice3A_899 = vector.extract_strided_slice %dot_general3A_11 {offsets = [648, 0], sizes = [8, 1024], strides = [1, 1]} : vector<1024x1024xf32> to vector<8x1024xf32>
    %add3A_900 = arith.addf %add3A_898, %slice3A_899 : vector<8x1024xf32>
    %add3A_901 = arith.constant 648 : i32
    %add3A_902 = vector.broadcast %add3A_901 : i32 to vector<8x1024xi32>
    %add3A_903 = arith.addi %iota3A, %add3A_902 : vector<8x1024xi32>
    %le3A_904 = arith.cmpf ole, %select_n3A_894, %add3A_900 : vector<8x1024xf32>
    %select_n3A_905 = arith.select %le3A_904, %select_n3A_894, %add3A_900 : vector<8x1024xi1>, vector<8x1024xf32>
    %select_n3A_906 = arith.select %le3A_904, %select_n3A_895, %add3A_903 : vector<8x1024xi1>, vector<8x1024xi32>
    %slice3A_907 = vector.extract_strided_slice %broadcast_in_dim3A {offsets = [656, 0], sizes = [8, 1], strides = [1, 1]} : vector<1024x1xf32> to vector<8x1xf32>
    %add3A_908 = vector.broadcast %slice3A_907 : vector<8x1xf32> to vector<8x1024xf32>
    %add3A_909 = arith.addf %broadcast_in_dim3A_17, %add3A_908 : vector<8x1024xf32>
    %slice3A_910 = vector.extract_strided_slice %dot_general3A_11 {offsets = [656, 0], sizes = [8, 1024], strides = [1, 1]} : vector<1024x1024xf32> to vector<8x1024xf32>
    %add3A_911 = arith.addf %add3A_909, %slice3A_910 : vector<8x1024xf32>
    %add3A_912 = arith.constant 656 : i32
    %add3A_913 = vector.broadcast %add3A_912 : i32 to vector<8x1024xi32>
    %add3A_914 = arith.addi %iota3A, %add3A_913 : vector<8x1024xi32>
    %le3A_915 = arith.cmpf ole, %select_n3A_905, %add3A_911 : vector<8x1024xf32>
    %select_n3A_916 = arith.select %le3A_915, %select_n3A_905, %add3A_911 : vector<8x1024xi1>, vector<8x1024xf32>
    %select_n3A_917 = arith.select %le3A_915, %select_n3A_906, %add3A_914 : vector<8x1024xi1>, vector<8x1024xi32>
    %slice3A_918 = vector.extract_strided_slice %broadcast_in_dim3A {offsets = [664, 0], sizes = [8, 1], strides = [1, 1]} : vector<1024x1xf32> to vector<8x1xf32>
    %add3A_919 = vector.broadcast %slice3A_918 : vector<8x1xf32> to vector<8x1024xf32>
    %add3A_920 = arith.addf %broadcast_in_dim3A_17, %add3A_919 : vector<8x1024xf32>
    %slice3A_921 = vector.extract_strided_slice %dot_general3A_11 {offsets = [664, 0], sizes = [8, 1024], strides = [1, 1]} : vector<1024x1024xf32> to vector<8x1024xf32>
    %add3A_922 = arith.addf %add3A_920, %slice3A_921 : vector<8x1024xf32>
    %add3A_923 = arith.constant 664 : i32
    %add3A_924 = vector.broadcast %add3A_923 : i32 to vector<8x1024xi32>
    %add3A_925 = arith.addi %iota3A, %add3A_924 : vector<8x1024xi32>
    %le3A_926 = arith.cmpf ole, %select_n3A_916, %add3A_922 : vector<8x1024xf32>
    %select_n3A_927 = arith.select %le3A_926, %select_n3A_916, %add3A_922 : vector<8x1024xi1>, vector<8x1024xf32>
    %select_n3A_928 = arith.select %le3A_926, %select_n3A_917, %add3A_925 : vector<8x1024xi1>, vector<8x1024xi32>
    %slice3A_929 = vector.extract_strided_slice %broadcast_in_dim3A {offsets = [672, 0], sizes = [8, 1], strides = [1, 1]} : vector<1024x1xf32> to vector<8x1xf32>
    %add3A_930 = vector.broadcast %slice3A_929 : vector<8x1xf32> to vector<8x1024xf32>
    %add3A_931 = arith.addf %broadcast_in_dim3A_17, %add3A_930 : vector<8x1024xf32>
    %slice3A_932 = vector.extract_strided_slice %dot_general3A_11 {offsets = [672, 0], sizes = [8, 1024], strides = [1, 1]} : vector<1024x1024xf32> to vector<8x1024xf32>
    %add3A_933 = arith.addf %add3A_931, %slice3A_932 : vector<8x1024xf32>
    %add3A_934 = arith.constant 672 : i32
    %add3A_935 = vector.broadcast %add3A_934 : i32 to vector<8x1024xi32>
    %add3A_936 = arith.addi %iota3A, %add3A_935 : vector<8x1024xi32>
    %le3A_937 = arith.cmpf ole, %select_n3A_927, %add3A_933 : vector<8x1024xf32>
    %select_n3A_938 = arith.select %le3A_937, %select_n3A_927, %add3A_933 : vector<8x1024xi1>, vector<8x1024xf32>
    %select_n3A_939 = arith.select %le3A_937, %select_n3A_928, %add3A_936 : vector<8x1024xi1>, vector<8x1024xi32>
    %slice3A_940 = vector.extract_strided_slice %broadcast_in_dim3A {offsets = [680, 0], sizes = [8, 1], strides = [1, 1]} : vector<1024x1xf32> to vector<8x1xf32>
    %add3A_941 = vector.broadcast %slice3A_940 : vector<8x1xf32> to vector<8x1024xf32>
    %add3A_942 = arith.addf %broadcast_in_dim3A_17, %add3A_941 : vector<8x1024xf32>
    %slice3A_943 = vector.extract_strided_slice %dot_general3A_11 {offsets = [680, 0], sizes = [8, 1024], strides = [1, 1]} : vector<1024x1024xf32> to vector<8x1024xf32>
    %add3A_944 = arith.addf %add3A_942, %slice3A_943 : vector<8x1024xf32>
    %add3A_945 = arith.constant 680 : i32
    %add3A_946 = vector.broadcast %add3A_945 : i32 to vector<8x1024xi32>
    %add3A_947 = arith.addi %iota3A, %add3A_946 : vector<8x1024xi32>
    %le3A_948 = arith.cmpf ole, %select_n3A_938, %add3A_944 : vector<8x1024xf32>
    %select_n3A_949 = arith.select %le3A_948, %select_n3A_938, %add3A_944 : vector<8x1024xi1>, vector<8x1024xf32>
    %select_n3A_950 = arith.select %le3A_948, %select_n3A_939, %add3A_947 : vector<8x1024xi1>, vector<8x1024xi32>
    %slice3A_951 = vector.extract_strided_slice %broadcast_in_dim3A {offsets = [688, 0], sizes = [8, 1], strides = [1, 1]} : vector<1024x1xf32> to vector<8x1xf32>
    %add3A_952 = vector.broadcast %slice3A_951 : vector<8x1xf32> to vector<8x1024xf32>
    %add3A_953 = arith.addf %broadcast_in_dim3A_17, %add3A_952 : vector<8x1024xf32>
    %slice3A_954 = vector.extract_strided_slice %dot_general3A_11 {offsets = [688, 0], sizes = [8, 1024], strides = [1, 1]} : vector<1024x1024xf32> to vector<8x1024xf32>
    %add3A_955 = arith.addf %add3A_953, %slice3A_954 : vector<8x1024xf32>
    %add3A_956 = arith.constant 688 : i32
    %add3A_957 = vector.broadcast %add3A_956 : i32 to vector<8x1024xi32>
    %add3A_958 = arith.addi %iota3A, %add3A_957 : vector<8x1024xi32>
    %le3A_959 = arith.cmpf ole, %select_n3A_949, %add3A_955 : vector<8x1024xf32>
    %select_n3A_960 = arith.select %le3A_959, %select_n3A_949, %add3A_955 : vector<8x1024xi1>, vector<8x1024xf32>
    %select_n3A_961 = arith.select %le3A_959, %select_n3A_950, %add3A_958 : vector<8x1024xi1>, vector<8x1024xi32>
    %slice3A_962 = vector.extract_strided_slice %broadcast_in_dim3A {offsets = [696, 0], sizes = [8, 1], strides = [1, 1]} : vector<1024x1xf32> to vector<8x1xf32>
    %add3A_963 = vector.broadcast %slice3A_962 : vector<8x1xf32> to vector<8x1024xf32>
    %add3A_964 = arith.addf %broadcast_in_dim3A_17, %add3A_963 : vector<8x1024xf32>
    %slice3A_965 = vector.extract_strided_slice %dot_general3A_11 {offsets = [696, 0], sizes = [8, 1024], strides = [1, 1]} : vector<1024x1024xf32> to vector<8x1024xf32>
    %add3A_966 = arith.addf %add3A_964, %slice3A_965 : vector<8x1024xf32>
    %add3A_967 = arith.constant 696 : i32
    %add3A_968 = vector.broadcast %add3A_967 : i32 to vector<8x1024xi32>
    %add3A_969 = arith.addi %iota3A, %add3A_968 : vector<8x1024xi32>
    %le3A_970 = arith.cmpf ole, %select_n3A_960, %add3A_966 : vector<8x1024xf32>
    %select_n3A_971 = arith.select %le3A_970, %select_n3A_960, %add3A_966 : vector<8x1024xi1>, vector<8x1024xf32>
    %select_n3A_972 = arith.select %le3A_970, %select_n3A_961, %add3A_969 : vector<8x1024xi1>, vector<8x1024xi32>
    %slice3A_973 = vector.extract_strided_slice %broadcast_in_dim3A {offsets = [704, 0], sizes = [8, 1], strides = [1, 1]} : vector<1024x1xf32> to vector<8x1xf32>
    %add3A_974 = vector.broadcast %slice3A_973 : vector<8x1xf32> to vector<8x1024xf32>
    %add3A_975 = arith.addf %broadcast_in_dim3A_17, %add3A_974 : vector<8x1024xf32>
    %slice3A_976 = vector.extract_strided_slice %dot_general3A_11 {offsets = [704, 0], sizes = [8, 1024], strides = [1, 1]} : vector<1024x1024xf32> to vector<8x1024xf32>
    %add3A_977 = arith.addf %add3A_975, %slice3A_976 : vector<8x1024xf32>
    %add3A_978 = arith.constant 704 : i32
    %add3A_979 = vector.broadcast %add3A_978 : i32 to vector<8x1024xi32>
    %add3A_980 = arith.addi %iota3A, %add3A_979 : vector<8x1024xi32>
    %le3A_981 = arith.cmpf ole, %select_n3A_971, %add3A_977 : vector<8x1024xf32>
    %select_n3A_982 = arith.select %le3A_981, %select_n3A_971, %add3A_977 : vector<8x1024xi1>, vector<8x1024xf32>
    %select_n3A_983 = arith.select %le3A_981, %select_n3A_972, %add3A_980 : vector<8x1024xi1>, vector<8x1024xi32>
    %slice3A_984 = vector.extract_strided_slice %broadcast_in_dim3A {offsets = [712, 0], sizes = [8, 1], strides = [1, 1]} : vector<1024x1xf32> to vector<8x1xf32>
    %add3A_985 = vector.broadcast %slice3A_984 : vector<8x1xf32> to vector<8x1024xf32>
    %add3A_986 = arith.addf %broadcast_in_dim3A_17, %add3A_985 : vector<8x1024xf32>
    %slice3A_987 = vector.extract_strided_slice %dot_general3A_11 {offsets = [712, 0], sizes = [8, 1024], strides = [1, 1]} : vector<1024x1024xf32> to vector<8x1024xf32>
    %add3A_988 = arith.addf %add3A_986, %slice3A_987 : vector<8x1024xf32>
    %add3A_989 = arith.constant 712 : i32
    %add3A_990 = vector.broadcast %add3A_989 : i32 to vector<8x1024xi32>
    %add3A_991 = arith.addi %iota3A, %add3A_990 : vector<8x1024xi32>
    %le3A_992 = arith.cmpf ole, %select_n3A_982, %add3A_988 : vector<8x1024xf32>
    %select_n3A_993 = arith.select %le3A_992, %select_n3A_982, %add3A_988 : vector<8x1024xi1>, vector<8x1024xf32>
    %select_n3A_994 = arith.select %le3A_992, %select_n3A_983, %add3A_991 : vector<8x1024xi1>, vector<8x1024xi32>
    %slice3A_995 = vector.extract_strided_slice %broadcast_in_dim3A {offsets = [720, 0], sizes = [8, 1], strides = [1, 1]} : vector<1024x1xf32> to vector<8x1xf32>
    %add3A_996 = vector.broadcast %slice3A_995 : vector<8x1xf32> to vector<8x1024xf32>
    %add3A_997 = arith.addf %broadcast_in_dim3A_17, %add3A_996 : vector<8x1024xf32>
    %slice3A_998 = vector.extract_strided_slice %dot_general3A_11 {offsets = [720, 0], sizes = [8, 1024], strides = [1, 1]} : vector<1024x1024xf32> to vector<8x1024xf32>
    %add3A_999 = arith.addf %add3A_997, %slice3A_998 : vector<8x1024xf32>
    %add3A_1000 = arith.constant 720 : i32
    %add3A_1001 = vector.broadcast %add3A_1000 : i32 to vector<8x1024xi32>
    %add3A_1002 = arith.addi %iota3A, %add3A_1001 : vector<8x1024xi32>
    %le3A_1003 = arith.cmpf ole, %select_n3A_993, %add3A_999 : vector<8x1024xf32>
    %select_n3A_1004 = arith.select %le3A_1003, %select_n3A_993, %add3A_999 : vector<8x1024xi1>, vector<8x1024xf32>
    %select_n3A_1005 = arith.select %le3A_1003, %select_n3A_994, %add3A_1002 : vector<8x1024xi1>, vector<8x1024xi32>
    %slice3A_1006 = vector.extract_strided_slice %broadcast_in_dim3A {offsets = [728, 0], sizes = [8, 1], strides = [1, 1]} : vector<1024x1xf32> to vector<8x1xf32>
    %add3A_1007 = vector.broadcast %slice3A_1006 : vector<8x1xf32> to vector<8x1024xf32>
    %add3A_1008 = arith.addf %broadcast_in_dim3A_17, %add3A_1007 : vector<8x1024xf32>
    %slice3A_1009 = vector.extract_strided_slice %dot_general3A_11 {offsets = [728, 0], sizes = [8, 1024], strides = [1, 1]} : vector<1024x1024xf32> to vector<8x1024xf32>
    %add3A_1010 = arith.addf %add3A_1008, %slice3A_1009 : vector<8x1024xf32>
    %add3A_1011 = arith.constant 728 : i32
    %add3A_1012 = vector.broadcast %add3A_1011 : i32 to vector<8x1024xi32>
    %add3A_1013 = arith.addi %iota3A, %add3A_1012 : vector<8x1024xi32>
    %le3A_1014 = arith.cmpf ole, %select_n3A_1004, %add3A_1010 : vector<8x1024xf32>
    %select_n3A_1015 = arith.select %le3A_1014, %select_n3A_1004, %add3A_1010 : vector<8x1024xi1>, vector<8x1024xf32>
    %select_n3A_1016 = arith.select %le3A_1014, %select_n3A_1005, %add3A_1013 : vector<8x1024xi1>, vector<8x1024xi32>
    %slice3A_1017 = vector.extract_strided_slice %broadcast_in_dim3A {offsets = [736, 0], sizes = [8, 1], strides = [1, 1]} : vector<1024x1xf32> to vector<8x1xf32>
    %add3A_1018 = vector.broadcast %slice3A_1017 : vector<8x1xf32> to vector<8x1024xf32>
    %add3A_1019 = arith.addf %broadcast_in_dim3A_17, %add3A_1018 : vector<8x1024xf32>
    %slice3A_1020 = vector.extract_strided_slice %dot_general3A_11 {offsets = [736, 0], sizes = [8, 1024], strides = [1, 1]} : vector<1024x1024xf32> to vector<8x1024xf32>
    %add3A_1021 = arith.addf %add3A_1019, %slice3A_1020 : vector<8x1024xf32>
    %add3A_1022 = arith.constant 736 : i32
    %add3A_1023 = vector.broadcast %add3A_1022 : i32 to vector<8x1024xi32>
    %add3A_1024 = arith.addi %iota3A, %add3A_1023 : vector<8x1024xi32>
    %le3A_1025 = arith.cmpf ole, %select_n3A_1015, %add3A_1021 : vector<8x1024xf32>
    %select_n3A_1026 = arith.select %le3A_1025, %select_n3A_1015, %add3A_1021 : vector<8x1024xi1>, vector<8x1024xf32>
    %select_n3A_1027 = arith.select %le3A_1025, %select_n3A_1016, %add3A_1024 : vector<8x1024xi1>, vector<8x1024xi32>
    %slice3A_1028 = vector.extract_strided_slice %broadcast_in_dim3A {offsets = [744, 0], sizes = [8, 1], strides = [1, 1]} : vector<1024x1xf32> to vector<8x1xf32>
    %add3A_1029 = vector.broadcast %slice3A_1028 : vector<8x1xf32> to vector<8x1024xf32>
    %add3A_1030 = arith.addf %broadcast_in_dim3A_17, %add3A_1029 : vector<8x1024xf32>
    %slice3A_1031 = vector.extract_strided_slice %dot_general3A_11 {offsets = [744, 0], sizes = [8, 1024], strides = [1, 1]} : vector<1024x1024xf32> to vector<8x1024xf32>
    %add3A_1032 = arith.addf %add3A_1030, %slice3A_1031 : vector<8x1024xf32>
    %add3A_1033 = arith.constant 744 : i32
    %add3A_1034 = vector.broadcast %add3A_1033 : i32 to vector<8x1024xi32>
    %add3A_1035 = arith.addi %iota3A, %add3A_1034 : vector<8x1024xi32>
    %le3A_1036 = arith.cmpf ole, %select_n3A_1026, %add3A_1032 : vector<8x1024xf32>
    %select_n3A_1037 = arith.select %le3A_1036, %select_n3A_1026, %add3A_1032 : vector<8x1024xi1>, vector<8x1024xf32>
    %select_n3A_1038 = arith.select %le3A_1036, %select_n3A_1027, %add3A_1035 : vector<8x1024xi1>, vector<8x1024xi32>
    %slice3A_1039 = vector.extract_strided_slice %broadcast_in_dim3A {offsets = [752, 0], sizes = [8, 1], strides = [1, 1]} : vector<1024x1xf32> to vector<8x1xf32>
    %add3A_1040 = vector.broadcast %slice3A_1039 : vector<8x1xf32> to vector<8x1024xf32>
    %add3A_1041 = arith.addf %broadcast_in_dim3A_17, %add3A_1040 : vector<8x1024xf32>
    %slice3A_1042 = vector.extract_strided_slice %dot_general3A_11 {offsets = [752, 0], sizes = [8, 1024], strides = [1, 1]} : vector<1024x1024xf32> to vector<8x1024xf32>
    %add3A_1043 = arith.addf %add3A_1041, %slice3A_1042 : vector<8x1024xf32>
    %add3A_1044 = arith.constant 752 : i32
    %add3A_1045 = vector.broadcast %add3A_1044 : i32 to vector<8x1024xi32>
    %add3A_1046 = arith.addi %iota3A, %add3A_1045 : vector<8x1024xi32>
    %le3A_1047 = arith.cmpf ole, %select_n3A_1037, %add3A_1043 : vector<8x1024xf32>
    %select_n3A_1048 = arith.select %le3A_1047, %select_n3A_1037, %add3A_1043 : vector<8x1024xi1>, vector<8x1024xf32>
    %select_n3A_1049 = arith.select %le3A_1047, %select_n3A_1038, %add3A_1046 : vector<8x1024xi1>, vector<8x1024xi32>
    %slice3A_1050 = vector.extract_strided_slice %broadcast_in_dim3A {offsets = [760, 0], sizes = [8, 1], strides = [1, 1]} : vector<1024x1xf32> to vector<8x1xf32>
    %add3A_1051 = vector.broadcast %slice3A_1050 : vector<8x1xf32> to vector<8x1024xf32>
    %add3A_1052 = arith.addf %broadcast_in_dim3A_17, %add3A_1051 : vector<8x1024xf32>
    %slice3A_1053 = vector.extract_strided_slice %dot_general3A_11 {offsets = [760, 0], sizes = [8, 1024], strides = [1, 1]} : vector<1024x1024xf32> to vector<8x1024xf32>
    %add3A_1054 = arith.addf %add3A_1052, %slice3A_1053 : vector<8x1024xf32>
    %add3A_1055 = arith.constant 760 : i32
    %add3A_1056 = vector.broadcast %add3A_1055 : i32 to vector<8x1024xi32>
    %add3A_1057 = arith.addi %iota3A, %add3A_1056 : vector<8x1024xi32>
    %le3A_1058 = arith.cmpf ole, %select_n3A_1048, %add3A_1054 : vector<8x1024xf32>
    %select_n3A_1059 = arith.select %le3A_1058, %select_n3A_1048, %add3A_1054 : vector<8x1024xi1>, vector<8x1024xf32>
    %select_n3A_1060 = arith.select %le3A_1058, %select_n3A_1049, %add3A_1057 : vector<8x1024xi1>, vector<8x1024xi32>
    %slice3A_1061 = vector.extract_strided_slice %broadcast_in_dim3A {offsets = [768, 0], sizes = [8, 1], strides = [1, 1]} : vector<1024x1xf32> to vector<8x1xf32>
    %add3A_1062 = vector.broadcast %slice3A_1061 : vector<8x1xf32> to vector<8x1024xf32>
    %add3A_1063 = arith.addf %broadcast_in_dim3A_17, %add3A_1062 : vector<8x1024xf32>
    %slice3A_1064 = vector.extract_strided_slice %dot_general3A_11 {offsets = [768, 0], sizes = [8, 1024], strides = [1, 1]} : vector<1024x1024xf32> to vector<8x1024xf32>
    %add3A_1065 = arith.addf %add3A_1063, %slice3A_1064 : vector<8x1024xf32>
    %add3A_1066 = arith.constant 768 : i32
    %add3A_1067 = vector.broadcast %add3A_1066 : i32 to vector<8x1024xi32>
    %add3A_1068 = arith.addi %iota3A, %add3A_1067 : vector<8x1024xi32>
    %slice3A_1069 = vector.extract_strided_slice %broadcast_in_dim3A {offsets = [776, 0], sizes = [8, 1], strides = [1, 1]} : vector<1024x1xf32> to vector<8x1xf32>
    %add3A_1070 = vector.broadcast %slice3A_1069 : vector<8x1xf32> to vector<8x1024xf32>
    %add3A_1071 = arith.addf %broadcast_in_dim3A_17, %add3A_1070 : vector<8x1024xf32>
    %slice3A_1072 = vector.extract_strided_slice %dot_general3A_11 {offsets = [776, 0], sizes = [8, 1024], strides = [1, 1]} : vector<1024x1024xf32> to vector<8x1024xf32>
    %add3A_1073 = arith.addf %add3A_1071, %slice3A_1072 : vector<8x1024xf32>
    %add3A_1074 = arith.constant 776 : i32
    %add3A_1075 = vector.broadcast %add3A_1074 : i32 to vector<8x1024xi32>
    %add3A_1076 = arith.addi %iota3A, %add3A_1075 : vector<8x1024xi32>
    %le3A_1077 = arith.cmpf ole, %add3A_1065, %add3A_1073 : vector<8x1024xf32>
    %select_n3A_1078 = arith.select %le3A_1077, %add3A_1065, %add3A_1073 : vector<8x1024xi1>, vector<8x1024xf32>
    %select_n3A_1079 = arith.select %le3A_1077, %add3A_1068, %add3A_1076 : vector<8x1024xi1>, vector<8x1024xi32>
    %slice3A_1080 = vector.extract_strided_slice %broadcast_in_dim3A {offsets = [784, 0], sizes = [8, 1], strides = [1, 1]} : vector<1024x1xf32> to vector<8x1xf32>
    %add3A_1081 = vector.broadcast %slice3A_1080 : vector<8x1xf32> to vector<8x1024xf32>
    %add3A_1082 = arith.addf %broadcast_in_dim3A_17, %add3A_1081 : vector<8x1024xf32>
    %slice3A_1083 = vector.extract_strided_slice %dot_general3A_11 {offsets = [784, 0], sizes = [8, 1024], strides = [1, 1]} : vector<1024x1024xf32> to vector<8x1024xf32>
    %add3A_1084 = arith.addf %add3A_1082, %slice3A_1083 : vector<8x1024xf32>
    %add3A_1085 = arith.constant 784 : i32
    %add3A_1086 = vector.broadcast %add3A_1085 : i32 to vector<8x1024xi32>
    %add3A_1087 = arith.addi %iota3A, %add3A_1086 : vector<8x1024xi32>
    %le3A_1088 = arith.cmpf ole, %select_n3A_1078, %add3A_1084 : vector<8x1024xf32>
    %select_n3A_1089 = arith.select %le3A_1088, %select_n3A_1078, %add3A_1084 : vector<8x1024xi1>, vector<8x1024xf32>
    %select_n3A_1090 = arith.select %le3A_1088, %select_n3A_1079, %add3A_1087 : vector<8x1024xi1>, vector<8x1024xi32>
    %slice3A_1091 = vector.extract_strided_slice %broadcast_in_dim3A {offsets = [792, 0], sizes = [8, 1], strides = [1, 1]} : vector<1024x1xf32> to vector<8x1xf32>
    %add3A_1092 = vector.broadcast %slice3A_1091 : vector<8x1xf32> to vector<8x1024xf32>
    %add3A_1093 = arith.addf %broadcast_in_dim3A_17, %add3A_1092 : vector<8x1024xf32>
    %slice3A_1094 = vector.extract_strided_slice %dot_general3A_11 {offsets = [792, 0], sizes = [8, 1024], strides = [1, 1]} : vector<1024x1024xf32> to vector<8x1024xf32>
    %add3A_1095 = arith.addf %add3A_1093, %slice3A_1094 : vector<8x1024xf32>
    %add3A_1096 = arith.constant 792 : i32
    %add3A_1097 = vector.broadcast %add3A_1096 : i32 to vector<8x1024xi32>
    %add3A_1098 = arith.addi %iota3A, %add3A_1097 : vector<8x1024xi32>
    %le3A_1099 = arith.cmpf ole, %select_n3A_1089, %add3A_1095 : vector<8x1024xf32>
    %select_n3A_1100 = arith.select %le3A_1099, %select_n3A_1089, %add3A_1095 : vector<8x1024xi1>, vector<8x1024xf32>
    %select_n3A_1101 = arith.select %le3A_1099, %select_n3A_1090, %add3A_1098 : vector<8x1024xi1>, vector<8x1024xi32>
    %slice3A_1102 = vector.extract_strided_slice %broadcast_in_dim3A {offsets = [800, 0], sizes = [8, 1], strides = [1, 1]} : vector<1024x1xf32> to vector<8x1xf32>
    %add3A_1103 = vector.broadcast %slice3A_1102 : vector<8x1xf32> to vector<8x1024xf32>
    %add3A_1104 = arith.addf %broadcast_in_dim3A_17, %add3A_1103 : vector<8x1024xf32>
    %slice3A_1105 = vector.extract_strided_slice %dot_general3A_11 {offsets = [800, 0], sizes = [8, 1024], strides = [1, 1]} : vector<1024x1024xf32> to vector<8x1024xf32>
    %add3A_1106 = arith.addf %add3A_1104, %slice3A_1105 : vector<8x1024xf32>
    %add3A_1107 = arith.constant 800 : i32
    %add3A_1108 = vector.broadcast %add3A_1107 : i32 to vector<8x1024xi32>
    %add3A_1109 = arith.addi %iota3A, %add3A_1108 : vector<8x1024xi32>
    %le3A_1110 = arith.cmpf ole, %select_n3A_1100, %add3A_1106 : vector<8x1024xf32>
    %select_n3A_1111 = arith.select %le3A_1110, %select_n3A_1100, %add3A_1106 : vector<8x1024xi1>, vector<8x1024xf32>
    %select_n3A_1112 = arith.select %le3A_1110, %select_n3A_1101, %add3A_1109 : vector<8x1024xi1>, vector<8x1024xi32>
    %slice3A_1113 = vector.extract_strided_slice %broadcast_in_dim3A {offsets = [808, 0], sizes = [8, 1], strides = [1, 1]} : vector<1024x1xf32> to vector<8x1xf32>
    %add3A_1114 = vector.broadcast %slice3A_1113 : vector<8x1xf32> to vector<8x1024xf32>
    %add3A_1115 = arith.addf %broadcast_in_dim3A_17, %add3A_1114 : vector<8x1024xf32>
    %slice3A_1116 = vector.extract_strided_slice %dot_general3A_11 {offsets = [808, 0], sizes = [8, 1024], strides = [1, 1]} : vector<1024x1024xf32> to vector<8x1024xf32>
    %add3A_1117 = arith.addf %add3A_1115, %slice3A_1116 : vector<8x1024xf32>
    %add3A_1118 = arith.constant 808 : i32
    %add3A_1119 = vector.broadcast %add3A_1118 : i32 to vector<8x1024xi32>
    %add3A_1120 = arith.addi %iota3A, %add3A_1119 : vector<8x1024xi32>
    %le3A_1121 = arith.cmpf ole, %select_n3A_1111, %add3A_1117 : vector<8x1024xf32>
    %select_n3A_1122 = arith.select %le3A_1121, %select_n3A_1111, %add3A_1117 : vector<8x1024xi1>, vector<8x1024xf32>
    %select_n3A_1123 = arith.select %le3A_1121, %select_n3A_1112, %add3A_1120 : vector<8x1024xi1>, vector<8x1024xi32>
    %slice3A_1124 = vector.extract_strided_slice %broadcast_in_dim3A {offsets = [816, 0], sizes = [8, 1], strides = [1, 1]} : vector<1024x1xf32> to vector<8x1xf32>
    %add3A_1125 = vector.broadcast %slice3A_1124 : vector<8x1xf32> to vector<8x1024xf32>
    %add3A_1126 = arith.addf %broadcast_in_dim3A_17, %add3A_1125 : vector<8x1024xf32>
    %slice3A_1127 = vector.extract_strided_slice %dot_general3A_11 {offsets = [816, 0], sizes = [8, 1024], strides = [1, 1]} : vector<1024x1024xf32> to vector<8x1024xf32>
    %add3A_1128 = arith.addf %add3A_1126, %slice3A_1127 : vector<8x1024xf32>
    %add3A_1129 = arith.constant 816 : i32
    %add3A_1130 = vector.broadcast %add3A_1129 : i32 to vector<8x1024xi32>
    %add3A_1131 = arith.addi %iota3A, %add3A_1130 : vector<8x1024xi32>
    %le3A_1132 = arith.cmpf ole, %select_n3A_1122, %add3A_1128 : vector<8x1024xf32>
    %select_n3A_1133 = arith.select %le3A_1132, %select_n3A_1122, %add3A_1128 : vector<8x1024xi1>, vector<8x1024xf32>
    %select_n3A_1134 = arith.select %le3A_1132, %select_n3A_1123, %add3A_1131 : vector<8x1024xi1>, vector<8x1024xi32>
    %slice3A_1135 = vector.extract_strided_slice %broadcast_in_dim3A {offsets = [824, 0], sizes = [8, 1], strides = [1, 1]} : vector<1024x1xf32> to vector<8x1xf32>
    %add3A_1136 = vector.broadcast %slice3A_1135 : vector<8x1xf32> to vector<8x1024xf32>
    %add3A_1137 = arith.addf %broadcast_in_dim3A_17, %add3A_1136 : vector<8x1024xf32>
    %slice3A_1138 = vector.extract_strided_slice %dot_general3A_11 {offsets = [824, 0], sizes = [8, 1024], strides = [1, 1]} : vector<1024x1024xf32> to vector<8x1024xf32>
    %add3A_1139 = arith.addf %add3A_1137, %slice3A_1138 : vector<8x1024xf32>
    %add3A_1140 = arith.constant 824 : i32
    %add3A_1141 = vector.broadcast %add3A_1140 : i32 to vector<8x1024xi32>
    %add3A_1142 = arith.addi %iota3A, %add3A_1141 : vector<8x1024xi32>
    %le3A_1143 = arith.cmpf ole, %select_n3A_1133, %add3A_1139 : vector<8x1024xf32>
    %select_n3A_1144 = arith.select %le3A_1143, %select_n3A_1133, %add3A_1139 : vector<8x1024xi1>, vector<8x1024xf32>
    %select_n3A_1145 = arith.select %le3A_1143, %select_n3A_1134, %add3A_1142 : vector<8x1024xi1>, vector<8x1024xi32>
    %slice3A_1146 = vector.extract_strided_slice %broadcast_in_dim3A {offsets = [832, 0], sizes = [8, 1], strides = [1, 1]} : vector<1024x1xf32> to vector<8x1xf32>
    %add3A_1147 = vector.broadcast %slice3A_1146 : vector<8x1xf32> to vector<8x1024xf32>
    %add3A_1148 = arith.addf %broadcast_in_dim3A_17, %add3A_1147 : vector<8x1024xf32>
    %slice3A_1149 = vector.extract_strided_slice %dot_general3A_11 {offsets = [832, 0], sizes = [8, 1024], strides = [1, 1]} : vector<1024x1024xf32> to vector<8x1024xf32>
    %add3A_1150 = arith.addf %add3A_1148, %slice3A_1149 : vector<8x1024xf32>
    %add3A_1151 = arith.constant 832 : i32
    %add3A_1152 = vector.broadcast %add3A_1151 : i32 to vector<8x1024xi32>
    %add3A_1153 = arith.addi %iota3A, %add3A_1152 : vector<8x1024xi32>
    %le3A_1154 = arith.cmpf ole, %select_n3A_1144, %add3A_1150 : vector<8x1024xf32>
    %select_n3A_1155 = arith.select %le3A_1154, %select_n3A_1144, %add3A_1150 : vector<8x1024xi1>, vector<8x1024xf32>
    %select_n3A_1156 = arith.select %le3A_1154, %select_n3A_1145, %add3A_1153 : vector<8x1024xi1>, vector<8x1024xi32>
    %slice3A_1157 = vector.extract_strided_slice %broadcast_in_dim3A {offsets = [840, 0], sizes = [8, 1], strides = [1, 1]} : vector<1024x1xf32> to vector<8x1xf32>
    %add3A_1158 = vector.broadcast %slice3A_1157 : vector<8x1xf32> to vector<8x1024xf32>
    %add3A_1159 = arith.addf %broadcast_in_dim3A_17, %add3A_1158 : vector<8x1024xf32>
    %slice3A_1160 = vector.extract_strided_slice %dot_general3A_11 {offsets = [840, 0], sizes = [8, 1024], strides = [1, 1]} : vector<1024x1024xf32> to vector<8x1024xf32>
    %add3A_1161 = arith.addf %add3A_1159, %slice3A_1160 : vector<8x1024xf32>
    %add3A_1162 = arith.constant 840 : i32
    %add3A_1163 = vector.broadcast %add3A_1162 : i32 to vector<8x1024xi32>
    %add3A_1164 = arith.addi %iota3A, %add3A_1163 : vector<8x1024xi32>
    %le3A_1165 = arith.cmpf ole, %select_n3A_1155, %add3A_1161 : vector<8x1024xf32>
    %select_n3A_1166 = arith.select %le3A_1165, %select_n3A_1155, %add3A_1161 : vector<8x1024xi1>, vector<8x1024xf32>
    %select_n3A_1167 = arith.select %le3A_1165, %select_n3A_1156, %add3A_1164 : vector<8x1024xi1>, vector<8x1024xi32>
    %slice3A_1168 = vector.extract_strided_slice %broadcast_in_dim3A {offsets = [848, 0], sizes = [8, 1], strides = [1, 1]} : vector<1024x1xf32> to vector<8x1xf32>
    %add3A_1169 = vector.broadcast %slice3A_1168 : vector<8x1xf32> to vector<8x1024xf32>
    %add3A_1170 = arith.addf %broadcast_in_dim3A_17, %add3A_1169 : vector<8x1024xf32>
    %slice3A_1171 = vector.extract_strided_slice %dot_general3A_11 {offsets = [848, 0], sizes = [8, 1024], strides = [1, 1]} : vector<1024x1024xf32> to vector<8x1024xf32>
    %add3A_1172 = arith.addf %add3A_1170, %slice3A_1171 : vector<8x1024xf32>
    %add3A_1173 = arith.constant 848 : i32
    %add3A_1174 = vector.broadcast %add3A_1173 : i32 to vector<8x1024xi32>
    %add3A_1175 = arith.addi %iota3A, %add3A_1174 : vector<8x1024xi32>
    %le3A_1176 = arith.cmpf ole, %select_n3A_1166, %add3A_1172 : vector<8x1024xf32>
    %select_n3A_1177 = arith.select %le3A_1176, %select_n3A_1166, %add3A_1172 : vector<8x1024xi1>, vector<8x1024xf32>
    %select_n3A_1178 = arith.select %le3A_1176, %select_n3A_1167, %add3A_1175 : vector<8x1024xi1>, vector<8x1024xi32>
    %slice3A_1179 = vector.extract_strided_slice %broadcast_in_dim3A {offsets = [856, 0], sizes = [8, 1], strides = [1, 1]} : vector<1024x1xf32> to vector<8x1xf32>
    %add3A_1180 = vector.broadcast %slice3A_1179 : vector<8x1xf32> to vector<8x1024xf32>
    %add3A_1181 = arith.addf %broadcast_in_dim3A_17, %add3A_1180 : vector<8x1024xf32>
    %slice3A_1182 = vector.extract_strided_slice %dot_general3A_11 {offsets = [856, 0], sizes = [8, 1024], strides = [1, 1]} : vector<1024x1024xf32> to vector<8x1024xf32>
    %add3A_1183 = arith.addf %add3A_1181, %slice3A_1182 : vector<8x1024xf32>
    %add3A_1184 = arith.constant 856 : i32
    %add3A_1185 = vector.broadcast %add3A_1184 : i32 to vector<8x1024xi32>
    %add3A_1186 = arith.addi %iota3A, %add3A_1185 : vector<8x1024xi32>
    %le3A_1187 = arith.cmpf ole, %select_n3A_1177, %add3A_1183 : vector<8x1024xf32>
    %select_n3A_1188 = arith.select %le3A_1187, %select_n3A_1177, %add3A_1183 : vector<8x1024xi1>, vector<8x1024xf32>
    %select_n3A_1189 = arith.select %le3A_1187, %select_n3A_1178, %add3A_1186 : vector<8x1024xi1>, vector<8x1024xi32>
    %slice3A_1190 = vector.extract_strided_slice %broadcast_in_dim3A {offsets = [864, 0], sizes = [8, 1], strides = [1, 1]} : vector<1024x1xf32> to vector<8x1xf32>
    %add3A_1191 = vector.broadcast %slice3A_1190 : vector<8x1xf32> to vector<8x1024xf32>
    %add3A_1192 = arith.addf %broadcast_in_dim3A_17, %add3A_1191 : vector<8x1024xf32>
    %slice3A_1193 = vector.extract_strided_slice %dot_general3A_11 {offsets = [864, 0], sizes = [8, 1024], strides = [1, 1]} : vector<1024x1024xf32> to vector<8x1024xf32>
    %add3A_1194 = arith.addf %add3A_1192, %slice3A_1193 : vector<8x1024xf32>
    %add3A_1195 = arith.constant 864 : i32
    %add3A_1196 = vector.broadcast %add3A_1195 : i32 to vector<8x1024xi32>
    %add3A_1197 = arith.addi %iota3A, %add3A_1196 : vector<8x1024xi32>
    %le3A_1198 = arith.cmpf ole, %select_n3A_1188, %add3A_1194 : vector<8x1024xf32>
    %select_n3A_1199 = arith.select %le3A_1198, %select_n3A_1188, %add3A_1194 : vector<8x1024xi1>, vector<8x1024xf32>
    %select_n3A_1200 = arith.select %le3A_1198, %select_n3A_1189, %add3A_1197 : vector<8x1024xi1>, vector<8x1024xi32>
    %slice3A_1201 = vector.extract_strided_slice %broadcast_in_dim3A {offsets = [872, 0], sizes = [8, 1], strides = [1, 1]} : vector<1024x1xf32> to vector<8x1xf32>
    %add3A_1202 = vector.broadcast %slice3A_1201 : vector<8x1xf32> to vector<8x1024xf32>
    %add3A_1203 = arith.addf %broadcast_in_dim3A_17, %add3A_1202 : vector<8x1024xf32>
    %slice3A_1204 = vector.extract_strided_slice %dot_general3A_11 {offsets = [872, 0], sizes = [8, 1024], strides = [1, 1]} : vector<1024x1024xf32> to vector<8x1024xf32>
    %add3A_1205 = arith.addf %add3A_1203, %slice3A_1204 : vector<8x1024xf32>
    %add3A_1206 = arith.constant 872 : i32
    %add3A_1207 = vector.broadcast %add3A_1206 : i32 to vector<8x1024xi32>
    %add3A_1208 = arith.addi %iota3A, %add3A_1207 : vector<8x1024xi32>
    %le3A_1209 = arith.cmpf ole, %select_n3A_1199, %add3A_1205 : vector<8x1024xf32>
    %select_n3A_1210 = arith.select %le3A_1209, %select_n3A_1199, %add3A_1205 : vector<8x1024xi1>, vector<8x1024xf32>
    %select_n3A_1211 = arith.select %le3A_1209, %select_n3A_1200, %add3A_1208 : vector<8x1024xi1>, vector<8x1024xi32>
    %slice3A_1212 = vector.extract_strided_slice %broadcast_in_dim3A {offsets = [880, 0], sizes = [8, 1], strides = [1, 1]} : vector<1024x1xf32> to vector<8x1xf32>
    %add3A_1213 = vector.broadcast %slice3A_1212 : vector<8x1xf32> to vector<8x1024xf32>
    %add3A_1214 = arith.addf %broadcast_in_dim3A_17, %add3A_1213 : vector<8x1024xf32>
    %slice3A_1215 = vector.extract_strided_slice %dot_general3A_11 {offsets = [880, 0], sizes = [8, 1024], strides = [1, 1]} : vector<1024x1024xf32> to vector<8x1024xf32>
    %add3A_1216 = arith.addf %add3A_1214, %slice3A_1215 : vector<8x1024xf32>
    %add3A_1217 = arith.constant 880 : i32
    %add3A_1218 = vector.broadcast %add3A_1217 : i32 to vector<8x1024xi32>
    %add3A_1219 = arith.addi %iota3A, %add3A_1218 : vector<8x1024xi32>
    %le3A_1220 = arith.cmpf ole, %select_n3A_1210, %add3A_1216 : vector<8x1024xf32>
    %select_n3A_1221 = arith.select %le3A_1220, %select_n3A_1210, %add3A_1216 : vector<8x1024xi1>, vector<8x1024xf32>
    %select_n3A_1222 = arith.select %le3A_1220, %select_n3A_1211, %add3A_1219 : vector<8x1024xi1>, vector<8x1024xi32>
    %slice3A_1223 = vector.extract_strided_slice %broadcast_in_dim3A {offsets = [888, 0], sizes = [8, 1], strides = [1, 1]} : vector<1024x1xf32> to vector<8x1xf32>
    %add3A_1224 = vector.broadcast %slice3A_1223 : vector<8x1xf32> to vector<8x1024xf32>
    %add3A_1225 = arith.addf %broadcast_in_dim3A_17, %add3A_1224 : vector<8x1024xf32>
    %slice3A_1226 = vector.extract_strided_slice %dot_general3A_11 {offsets = [888, 0], sizes = [8, 1024], strides = [1, 1]} : vector<1024x1024xf32> to vector<8x1024xf32>
    %add3A_1227 = arith.addf %add3A_1225, %slice3A_1226 : vector<8x1024xf32>
    %add3A_1228 = arith.constant 888 : i32
    %add3A_1229 = vector.broadcast %add3A_1228 : i32 to vector<8x1024xi32>
    %add3A_1230 = arith.addi %iota3A, %add3A_1229 : vector<8x1024xi32>
    %le3A_1231 = arith.cmpf ole, %select_n3A_1221, %add3A_1227 : vector<8x1024xf32>
    %select_n3A_1232 = arith.select %le3A_1231, %select_n3A_1221, %add3A_1227 : vector<8x1024xi1>, vector<8x1024xf32>
    %select_n3A_1233 = arith.select %le3A_1231, %select_n3A_1222, %add3A_1230 : vector<8x1024xi1>, vector<8x1024xi32>
    %slice3A_1234 = vector.extract_strided_slice %broadcast_in_dim3A {offsets = [896, 0], sizes = [8, 1], strides = [1, 1]} : vector<1024x1xf32> to vector<8x1xf32>
    %add3A_1235 = vector.broadcast %slice3A_1234 : vector<8x1xf32> to vector<8x1024xf32>
    %add3A_1236 = arith.addf %broadcast_in_dim3A_17, %add3A_1235 : vector<8x1024xf32>
    %slice3A_1237 = vector.extract_strided_slice %dot_general3A_11 {offsets = [896, 0], sizes = [8, 1024], strides = [1, 1]} : vector<1024x1024xf32> to vector<8x1024xf32>
    %add3A_1238 = arith.addf %add3A_1236, %slice3A_1237 : vector<8x1024xf32>
    %add3A_1239 = arith.constant 896 : i32
    %add3A_1240 = vector.broadcast %add3A_1239 : i32 to vector<8x1024xi32>
    %add3A_1241 = arith.addi %iota3A, %add3A_1240 : vector<8x1024xi32>
    %le3A_1242 = arith.cmpf ole, %select_n3A_1232, %add3A_1238 : vector<8x1024xf32>
    %select_n3A_1243 = arith.select %le3A_1242, %select_n3A_1232, %add3A_1238 : vector<8x1024xi1>, vector<8x1024xf32>
    %select_n3A_1244 = arith.select %le3A_1242, %select_n3A_1233, %add3A_1241 : vector<8x1024xi1>, vector<8x1024xi32>
    %slice3A_1245 = vector.extract_strided_slice %broadcast_in_dim3A {offsets = [904, 0], sizes = [8, 1], strides = [1, 1]} : vector<1024x1xf32> to vector<8x1xf32>
    %add3A_1246 = vector.broadcast %slice3A_1245 : vector<8x1xf32> to vector<8x1024xf32>
    %add3A_1247 = arith.addf %broadcast_in_dim3A_17, %add3A_1246 : vector<8x1024xf32>
    %slice3A_1248 = vector.extract_strided_slice %dot_general3A_11 {offsets = [904, 0], sizes = [8, 1024], strides = [1, 1]} : vector<1024x1024xf32> to vector<8x1024xf32>
    %add3A_1249 = arith.addf %add3A_1247, %slice3A_1248 : vector<8x1024xf32>
    %add3A_1250 = arith.constant 904 : i32
    %add3A_1251 = vector.broadcast %add3A_1250 : i32 to vector<8x1024xi32>
    %add3A_1252 = arith.addi %iota3A, %add3A_1251 : vector<8x1024xi32>
    %le3A_1253 = arith.cmpf ole, %select_n3A_1243, %add3A_1249 : vector<8x1024xf32>
    %select_n3A_1254 = arith.select %le3A_1253, %select_n3A_1243, %add3A_1249 : vector<8x1024xi1>, vector<8x1024xf32>
    %select_n3A_1255 = arith.select %le3A_1253, %select_n3A_1244, %add3A_1252 : vector<8x1024xi1>, vector<8x1024xi32>
    %slice3A_1256 = vector.extract_strided_slice %broadcast_in_dim3A {offsets = [912, 0], sizes = [8, 1], strides = [1, 1]} : vector<1024x1xf32> to vector<8x1xf32>
    %add3A_1257 = vector.broadcast %slice3A_1256 : vector<8x1xf32> to vector<8x1024xf32>
    %add3A_1258 = arith.addf %broadcast_in_dim3A_17, %add3A_1257 : vector<8x1024xf32>
    %slice3A_1259 = vector.extract_strided_slice %dot_general3A_11 {offsets = [912, 0], sizes = [8, 1024], strides = [1, 1]} : vector<1024x1024xf32> to vector<8x1024xf32>
    %add3A_1260 = arith.addf %add3A_1258, %slice3A_1259 : vector<8x1024xf32>
    %add3A_1261 = arith.constant 912 : i32
    %add3A_1262 = vector.broadcast %add3A_1261 : i32 to vector<8x1024xi32>
    %add3A_1263 = arith.addi %iota3A, %add3A_1262 : vector<8x1024xi32>
    %le3A_1264 = arith.cmpf ole, %select_n3A_1254, %add3A_1260 : vector<8x1024xf32>
    %select_n3A_1265 = arith.select %le3A_1264, %select_n3A_1254, %add3A_1260 : vector<8x1024xi1>, vector<8x1024xf32>
    %select_n3A_1266 = arith.select %le3A_1264, %select_n3A_1255, %add3A_1263 : vector<8x1024xi1>, vector<8x1024xi32>
    %slice3A_1267 = vector.extract_strided_slice %broadcast_in_dim3A {offsets = [920, 0], sizes = [8, 1], strides = [1, 1]} : vector<1024x1xf32> to vector<8x1xf32>
    %add3A_1268 = vector.broadcast %slice3A_1267 : vector<8x1xf32> to vector<8x1024xf32>
    %add3A_1269 = arith.addf %broadcast_in_dim3A_17, %add3A_1268 : vector<8x1024xf32>
    %slice3A_1270 = vector.extract_strided_slice %dot_general3A_11 {offsets = [920, 0], sizes = [8, 1024], strides = [1, 1]} : vector<1024x1024xf32> to vector<8x1024xf32>
    %add3A_1271 = arith.addf %add3A_1269, %slice3A_1270 : vector<8x1024xf32>
    %add3A_1272 = arith.constant 920 : i32
    %add3A_1273 = vector.broadcast %add3A_1272 : i32 to vector<8x1024xi32>
    %add3A_1274 = arith.addi %iota3A, %add3A_1273 : vector<8x1024xi32>
    %le3A_1275 = arith.cmpf ole, %select_n3A_1265, %add3A_1271 : vector<8x1024xf32>
    %select_n3A_1276 = arith.select %le3A_1275, %select_n3A_1265, %add3A_1271 : vector<8x1024xi1>, vector<8x1024xf32>
    %select_n3A_1277 = arith.select %le3A_1275, %select_n3A_1266, %add3A_1274 : vector<8x1024xi1>, vector<8x1024xi32>
    %slice3A_1278 = vector.extract_strided_slice %broadcast_in_dim3A {offsets = [928, 0], sizes = [8, 1], strides = [1, 1]} : vector<1024x1xf32> to vector<8x1xf32>
    %add3A_1279 = vector.broadcast %slice3A_1278 : vector<8x1xf32> to vector<8x1024xf32>
    %add3A_1280 = arith.addf %broadcast_in_dim3A_17, %add3A_1279 : vector<8x1024xf32>
    %slice3A_1281 = vector.extract_strided_slice %dot_general3A_11 {offsets = [928, 0], sizes = [8, 1024], strides = [1, 1]} : vector<1024x1024xf32> to vector<8x1024xf32>
    %add3A_1282 = arith.addf %add3A_1280, %slice3A_1281 : vector<8x1024xf32>
    %add3A_1283 = arith.constant 928 : i32
    %add3A_1284 = vector.broadcast %add3A_1283 : i32 to vector<8x1024xi32>
    %add3A_1285 = arith.addi %iota3A, %add3A_1284 : vector<8x1024xi32>
    %le3A_1286 = arith.cmpf ole, %select_n3A_1276, %add3A_1282 : vector<8x1024xf32>
    %select_n3A_1287 = arith.select %le3A_1286, %select_n3A_1276, %add3A_1282 : vector<8x1024xi1>, vector<8x1024xf32>
    %select_n3A_1288 = arith.select %le3A_1286, %select_n3A_1277, %add3A_1285 : vector<8x1024xi1>, vector<8x1024xi32>
    %slice3A_1289 = vector.extract_strided_slice %broadcast_in_dim3A {offsets = [936, 0], sizes = [8, 1], strides = [1, 1]} : vector<1024x1xf32> to vector<8x1xf32>
    %add3A_1290 = vector.broadcast %slice3A_1289 : vector<8x1xf32> to vector<8x1024xf32>
    %add3A_1291 = arith.addf %broadcast_in_dim3A_17, %add3A_1290 : vector<8x1024xf32>
    %slice3A_1292 = vector.extract_strided_slice %dot_general3A_11 {offsets = [936, 0], sizes = [8, 1024], strides = [1, 1]} : vector<1024x1024xf32> to vector<8x1024xf32>
    %add3A_1293 = arith.addf %add3A_1291, %slice3A_1292 : vector<8x1024xf32>
    %add3A_1294 = arith.constant 936 : i32
    %add3A_1295 = vector.broadcast %add3A_1294 : i32 to vector<8x1024xi32>
    %add3A_1296 = arith.addi %iota3A, %add3A_1295 : vector<8x1024xi32>
    %le3A_1297 = arith.cmpf ole, %select_n3A_1287, %add3A_1293 : vector<8x1024xf32>
    %select_n3A_1298 = arith.select %le3A_1297, %select_n3A_1287, %add3A_1293 : vector<8x1024xi1>, vector<8x1024xf32>
    %select_n3A_1299 = arith.select %le3A_1297, %select_n3A_1288, %add3A_1296 : vector<8x1024xi1>, vector<8x1024xi32>
    %slice3A_1300 = vector.extract_strided_slice %broadcast_in_dim3A {offsets = [944, 0], sizes = [8, 1], strides = [1, 1]} : vector<1024x1xf32> to vector<8x1xf32>
    %add3A_1301 = vector.broadcast %slice3A_1300 : vector<8x1xf32> to vector<8x1024xf32>
    %add3A_1302 = arith.addf %broadcast_in_dim3A_17, %add3A_1301 : vector<8x1024xf32>
    %slice3A_1303 = vector.extract_strided_slice %dot_general3A_11 {offsets = [944, 0], sizes = [8, 1024], strides = [1, 1]} : vector<1024x1024xf32> to vector<8x1024xf32>
    %add3A_1304 = arith.addf %add3A_1302, %slice3A_1303 : vector<8x1024xf32>
    %add3A_1305 = arith.constant 944 : i32
    %add3A_1306 = vector.broadcast %add3A_1305 : i32 to vector<8x1024xi32>
    %add3A_1307 = arith.addi %iota3A, %add3A_1306 : vector<8x1024xi32>
    %le3A_1308 = arith.cmpf ole, %select_n3A_1298, %add3A_1304 : vector<8x1024xf32>
    %select_n3A_1309 = arith.select %le3A_1308, %select_n3A_1298, %add3A_1304 : vector<8x1024xi1>, vector<8x1024xf32>
    %select_n3A_1310 = arith.select %le3A_1308, %select_n3A_1299, %add3A_1307 : vector<8x1024xi1>, vector<8x1024xi32>
    %slice3A_1311 = vector.extract_strided_slice %broadcast_in_dim3A {offsets = [952, 0], sizes = [8, 1], strides = [1, 1]} : vector<1024x1xf32> to vector<8x1xf32>
    %add3A_1312 = vector.broadcast %slice3A_1311 : vector<8x1xf32> to vector<8x1024xf32>
    %add3A_1313 = arith.addf %broadcast_in_dim3A_17, %add3A_1312 : vector<8x1024xf32>
    %slice3A_1314 = vector.extract_strided_slice %dot_general3A_11 {offsets = [952, 0], sizes = [8, 1024], strides = [1, 1]} : vector<1024x1024xf32> to vector<8x1024xf32>
    %add3A_1315 = arith.addf %add3A_1313, %slice3A_1314 : vector<8x1024xf32>
    %add3A_1316 = arith.constant 952 : i32
    %add3A_1317 = vector.broadcast %add3A_1316 : i32 to vector<8x1024xi32>
    %add3A_1318 = arith.addi %iota3A, %add3A_1317 : vector<8x1024xi32>
    %le3A_1319 = arith.cmpf ole, %select_n3A_1309, %add3A_1315 : vector<8x1024xf32>
    %select_n3A_1320 = arith.select %le3A_1319, %select_n3A_1309, %add3A_1315 : vector<8x1024xi1>, vector<8x1024xf32>
    %select_n3A_1321 = arith.select %le3A_1319, %select_n3A_1310, %add3A_1318 : vector<8x1024xi1>, vector<8x1024xi32>
    %slice3A_1322 = vector.extract_strided_slice %broadcast_in_dim3A {offsets = [960, 0], sizes = [8, 1], strides = [1, 1]} : vector<1024x1xf32> to vector<8x1xf32>
    %add3A_1323 = vector.broadcast %slice3A_1322 : vector<8x1xf32> to vector<8x1024xf32>
    %add3A_1324 = arith.addf %broadcast_in_dim3A_17, %add3A_1323 : vector<8x1024xf32>
    %slice3A_1325 = vector.extract_strided_slice %dot_general3A_11 {offsets = [960, 0], sizes = [8, 1024], strides = [1, 1]} : vector<1024x1024xf32> to vector<8x1024xf32>
    %add3A_1326 = arith.addf %add3A_1324, %slice3A_1325 : vector<8x1024xf32>
    %add3A_1327 = arith.constant 960 : i32
    %add3A_1328 = vector.broadcast %add3A_1327 : i32 to vector<8x1024xi32>
    %add3A_1329 = arith.addi %iota3A, %add3A_1328 : vector<8x1024xi32>
    %le3A_1330 = arith.cmpf ole, %select_n3A_1320, %add3A_1326 : vector<8x1024xf32>
    %select_n3A_1331 = arith.select %le3A_1330, %select_n3A_1320, %add3A_1326 : vector<8x1024xi1>, vector<8x1024xf32>
    %select_n3A_1332 = arith.select %le3A_1330, %select_n3A_1321, %add3A_1329 : vector<8x1024xi1>, vector<8x1024xi32>
    %slice3A_1333 = vector.extract_strided_slice %broadcast_in_dim3A {offsets = [968, 0], sizes = [8, 1], strides = [1, 1]} : vector<1024x1xf32> to vector<8x1xf32>
    %add3A_1334 = vector.broadcast %slice3A_1333 : vector<8x1xf32> to vector<8x1024xf32>
    %add3A_1335 = arith.addf %broadcast_in_dim3A_17, %add3A_1334 : vector<8x1024xf32>
    %slice3A_1336 = vector.extract_strided_slice %dot_general3A_11 {offsets = [968, 0], sizes = [8, 1024], strides = [1, 1]} : vector<1024x1024xf32> to vector<8x1024xf32>
    %add3A_1337 = arith.addf %add3A_1335, %slice3A_1336 : vector<8x1024xf32>
    %add3A_1338 = arith.constant 968 : i32
    %add3A_1339 = vector.broadcast %add3A_1338 : i32 to vector<8x1024xi32>
    %add3A_1340 = arith.addi %iota3A, %add3A_1339 : vector<8x1024xi32>
    %le3A_1341 = arith.cmpf ole, %select_n3A_1331, %add3A_1337 : vector<8x1024xf32>
    %select_n3A_1342 = arith.select %le3A_1341, %select_n3A_1331, %add3A_1337 : vector<8x1024xi1>, vector<8x1024xf32>
    %select_n3A_1343 = arith.select %le3A_1341, %select_n3A_1332, %add3A_1340 : vector<8x1024xi1>, vector<8x1024xi32>
    %slice3A_1344 = vector.extract_strided_slice %broadcast_in_dim3A {offsets = [976, 0], sizes = [8, 1], strides = [1, 1]} : vector<1024x1xf32> to vector<8x1xf32>
    %add3A_1345 = vector.broadcast %slice3A_1344 : vector<8x1xf32> to vector<8x1024xf32>
    %add3A_1346 = arith.addf %broadcast_in_dim3A_17, %add3A_1345 : vector<8x1024xf32>
    %slice3A_1347 = vector.extract_strided_slice %dot_general3A_11 {offsets = [976, 0], sizes = [8, 1024], strides = [1, 1]} : vector<1024x1024xf32> to vector<8x1024xf32>
    %add3A_1348 = arith.addf %add3A_1346, %slice3A_1347 : vector<8x1024xf32>
    %add3A_1349 = arith.constant 976 : i32
    %add3A_1350 = vector.broadcast %add3A_1349 : i32 to vector<8x1024xi32>
    %add3A_1351 = arith.addi %iota3A, %add3A_1350 : vector<8x1024xi32>
    %le3A_1352 = arith.cmpf ole, %select_n3A_1342, %add3A_1348 : vector<8x1024xf32>
    %select_n3A_1353 = arith.select %le3A_1352, %select_n3A_1342, %add3A_1348 : vector<8x1024xi1>, vector<8x1024xf32>
    %select_n3A_1354 = arith.select %le3A_1352, %select_n3A_1343, %add3A_1351 : vector<8x1024xi1>, vector<8x1024xi32>
    %slice3A_1355 = vector.extract_strided_slice %broadcast_in_dim3A {offsets = [984, 0], sizes = [8, 1], strides = [1, 1]} : vector<1024x1xf32> to vector<8x1xf32>
    %add3A_1356 = vector.broadcast %slice3A_1355 : vector<8x1xf32> to vector<8x1024xf32>
    %add3A_1357 = arith.addf %broadcast_in_dim3A_17, %add3A_1356 : vector<8x1024xf32>
    %slice3A_1358 = vector.extract_strided_slice %dot_general3A_11 {offsets = [984, 0], sizes = [8, 1024], strides = [1, 1]} : vector<1024x1024xf32> to vector<8x1024xf32>
    %add3A_1359 = arith.addf %add3A_1357, %slice3A_1358 : vector<8x1024xf32>
    %add3A_1360 = arith.constant 984 : i32
    %add3A_1361 = vector.broadcast %add3A_1360 : i32 to vector<8x1024xi32>
    %add3A_1362 = arith.addi %iota3A, %add3A_1361 : vector<8x1024xi32>
    %le3A_1363 = arith.cmpf ole, %select_n3A_1353, %add3A_1359 : vector<8x1024xf32>
    %select_n3A_1364 = arith.select %le3A_1363, %select_n3A_1353, %add3A_1359 : vector<8x1024xi1>, vector<8x1024xf32>
    %select_n3A_1365 = arith.select %le3A_1363, %select_n3A_1354, %add3A_1362 : vector<8x1024xi1>, vector<8x1024xi32>
    %slice3A_1366 = vector.extract_strided_slice %broadcast_in_dim3A {offsets = [992, 0], sizes = [8, 1], strides = [1, 1]} : vector<1024x1xf32> to vector<8x1xf32>
    %add3A_1367 = vector.broadcast %slice3A_1366 : vector<8x1xf32> to vector<8x1024xf32>
    %add3A_1368 = arith.addf %broadcast_in_dim3A_17, %add3A_1367 : vector<8x1024xf32>
    %slice3A_1369 = vector.extract_strided_slice %dot_general3A_11 {offsets = [992, 0], sizes = [8, 1024], strides = [1, 1]} : vector<1024x1024xf32> to vector<8x1024xf32>
    %add3A_1370 = arith.addf %add3A_1368, %slice3A_1369 : vector<8x1024xf32>
    %add3A_1371 = arith.constant 992 : i32
    %add3A_1372 = vector.broadcast %add3A_1371 : i32 to vector<8x1024xi32>
    %add3A_1373 = arith.addi %iota3A, %add3A_1372 : vector<8x1024xi32>
    %le3A_1374 = arith.cmpf ole, %select_n3A_1364, %add3A_1370 : vector<8x1024xf32>
    %select_n3A_1375 = arith.select %le3A_1374, %select_n3A_1364, %add3A_1370 : vector<8x1024xi1>, vector<8x1024xf32>
    %select_n3A_1376 = arith.select %le3A_1374, %select_n3A_1365, %add3A_1373 : vector<8x1024xi1>, vector<8x1024xi32>
    %slice3A_1377 = vector.extract_strided_slice %broadcast_in_dim3A {offsets = [1000, 0], sizes = [8, 1], strides = [1, 1]} : vector<1024x1xf32> to vector<8x1xf32>
    %add3A_1378 = vector.broadcast %slice3A_1377 : vector<8x1xf32> to vector<8x1024xf32>
    %add3A_1379 = arith.addf %broadcast_in_dim3A_17, %add3A_1378 : vector<8x1024xf32>
    %slice3A_1380 = vector.extract_strided_slice %dot_general3A_11 {offsets = [1000, 0], sizes = [8, 1024], strides = [1, 1]} : vector<1024x1024xf32> to vector<8x1024xf32>
    %add3A_1381 = arith.addf %add3A_1379, %slice3A_1380 : vector<8x1024xf32>
    %add3A_1382 = arith.constant 1000 : i32
    %add3A_1383 = vector.broadcast %add3A_1382 : i32 to vector<8x1024xi32>
    %add3A_1384 = arith.addi %iota3A, %add3A_1383 : vector<8x1024xi32>
    %le3A_1385 = arith.cmpf ole, %select_n3A_1375, %add3A_1381 : vector<8x1024xf32>
    %select_n3A_1386 = arith.select %le3A_1385, %select_n3A_1375, %add3A_1381 : vector<8x1024xi1>, vector<8x1024xf32>
    %select_n3A_1387 = arith.select %le3A_1385, %select_n3A_1376, %add3A_1384 : vector<8x1024xi1>, vector<8x1024xi32>
    %slice3A_1388 = vector.extract_strided_slice %broadcast_in_dim3A {offsets = [1008, 0], sizes = [8, 1], strides = [1, 1]} : vector<1024x1xf32> to vector<8x1xf32>
    %add3A_1389 = vector.broadcast %slice3A_1388 : vector<8x1xf32> to vector<8x1024xf32>
    %add3A_1390 = arith.addf %broadcast_in_dim3A_17, %add3A_1389 : vector<8x1024xf32>
    %slice3A_1391 = vector.extract_strided_slice %dot_general3A_11 {offsets = [1008, 0], sizes = [8, 1024], strides = [1, 1]} : vector<1024x1024xf32> to vector<8x1024xf32>
    %add3A_1392 = arith.addf %add3A_1390, %slice3A_1391 : vector<8x1024xf32>
    %add3A_1393 = arith.constant 1008 : i32
    %add3A_1394 = vector.broadcast %add3A_1393 : i32 to vector<8x1024xi32>
    %add3A_1395 = arith.addi %iota3A, %add3A_1394 : vector<8x1024xi32>
    %le3A_1396 = arith.cmpf ole, %select_n3A_1386, %add3A_1392 : vector<8x1024xf32>
    %select_n3A_1397 = arith.select %le3A_1396, %select_n3A_1386, %add3A_1392 : vector<8x1024xi1>, vector<8x1024xf32>
    %select_n3A_1398 = arith.select %le3A_1396, %select_n3A_1387, %add3A_1395 : vector<8x1024xi1>, vector<8x1024xi32>
    %slice3A_1399 = vector.extract_strided_slice %broadcast_in_dim3A {offsets = [1016, 0], sizes = [8, 1], strides = [1, 1]} : vector<1024x1xf32> to vector<8x1xf32>
    %add3A_1400 = vector.broadcast %slice3A_1399 : vector<8x1xf32> to vector<8x1024xf32>
    %add3A_1401 = arith.addf %broadcast_in_dim3A_17, %add3A_1400 : vector<8x1024xf32>
    %slice3A_1402 = vector.extract_strided_slice %dot_general3A_11 {offsets = [1016, 0], sizes = [8, 1024], strides = [1, 1]} : vector<1024x1024xf32> to vector<8x1024xf32>
    %add3A_1403 = arith.addf %add3A_1401, %slice3A_1402 : vector<8x1024xf32>
    %add3A_1404 = arith.constant 1016 : i32
    %add3A_1405 = vector.broadcast %add3A_1404 : i32 to vector<8x1024xi32>
    %add3A_1406 = arith.addi %iota3A, %add3A_1405 : vector<8x1024xi32>
    %le3A_1407 = arith.cmpf ole, %select_n3A_1397, %add3A_1403 : vector<8x1024xf32>
    %select_n3A_1408 = arith.select %le3A_1407, %select_n3A_1397, %add3A_1403 : vector<8x1024xi1>, vector<8x1024xf32>
    %select_n3A_1409 = arith.select %le3A_1407, %select_n3A_1398, %add3A_1406 : vector<8x1024xi1>, vector<8x1024xi32>
    %le3A_1410 = arith.cmpf ole, %select_n3A_361, %select_n3A_710 : vector<8x1024xf32>
    %select_n3A_1411 = arith.select %le3A_1410, %select_n3A_361, %select_n3A_710 : vector<8x1024xi1>, vector<8x1024xf32>
    %select_n3A_1412 = arith.select %le3A_1410, %select_n3A_362, %select_n3A_711 : vector<8x1024xi1>, vector<8x1024xi32>
    %le3A_1413 = arith.cmpf ole, %select_n3A_1059, %select_n3A_1408 : vector<8x1024xf32>
    %select_n3A_1414 = arith.select %le3A_1413, %select_n3A_1059, %select_n3A_1408 : vector<8x1024xi1>, vector<8x1024xf32>
    %select_n3A_1415 = arith.select %le3A_1413, %select_n3A_1060, %select_n3A_1409 : vector<8x1024xi1>, vector<8x1024xi32>
    %le3A_1416 = arith.cmpf ole, %select_n3A_1411, %select_n3A_1414 : vector<8x1024xf32>
    %select_n3A_1417 = arith.select %le3A_1416, %select_n3A_1411, %select_n3A_1414 : vector<8x1024xi1>, vector<8x1024xf32>
    %select_n3A_1418 = arith.select %le3A_1416, %select_n3A_1412, %select_n3A_1415 : vector<8x1024xi1>, vector<8x1024xi32>
    %reduce_min3A = arith.constant dense<0x7F800000> : vector<1024xf32>
    %reduce_min3A_1419 = vector.multi_reduction <minimumf>, %select_n3A_1417, %reduce_min3A [0] : vector<8x1024xf32> to vector<1024xf32>
    %broadcast_in_dim3A_1420 = vector.shape_cast %reduce_min3A_1419 : vector<1024xf32> to vector<1x1024xf32>
    %eq3A = vector.broadcast %broadcast_in_dim3A_1420 : vector<1x1024xf32> to vector<8x1024xf32>
    %eq3A_1421 = arith.cmpf oeq, %select_n3A_1417, %eq3A : vector<8x1024xf32>
    %jit3A = arith.constant 1024 : i32
    %broadcast_in_dim3A_1422 = vector.broadcast %jit3A : i32 to vector<8x1024xi32>
    %select_n3A_1423 = arith.select %eq3A_1421, %select_n3A_1418, %broadcast_in_dim3A_1422 : vector<8x1024xi1>, vector<8x1024xi32>
    %reduce_min3A_1424 = arith.constant dense<2147483647> : vector<1024xi32>
    %reduce_min3A_1425 = vector.multi_reduction <minsi>, %select_n3A_1423, %reduce_min3A_1424 [0] : vector<8x1024xi32> to vector<1024xi32>
    %broadcast_in_dim3A_1426 = vector.shape_cast %reduce_min3A_1425 : vector<1024xi32> to vector<1x1024xi32>
    %swap3A = arith.constant 0 : index
    %swap3A_1427 = arith.constant 0 : index
    %swap3A_1428 = arith.constant 0 : index
    %swap3A_1429 = vector.load %arg3[%swap3A, %swap3A_1427, %swap3A_1428] : memref<1x1x1024xi32, #tpu.memory_space<vmem>>, vector<1x1x1024xi32>
    %swap3A_1430 = vector.shape_cast %swap3A_1429 : vector<1x1x1024xi32> to vector<1x1024xi32>
    %swap3A_1431 = vector.shape_cast %broadcast_in_dim3A_1426 : vector<1x1024xi32> to vector<1x1x1024xi32>
    tpu.vector_store %arg3[%swap3A, %swap3A_1427, %swap3A_1428], %swap3A_1431 {strides = array<i32>} : memref<1x1x1024xi32, #tpu.memory_space<vmem>>, vector<1x1x1024xi32>,
    %reduce_sum3A_1432 = arith.constant dense<0.000000e+00> : vector<1xf32>
    %reduce_sum3A_1433 = vector.multi_reduction <add>, %broadcast_in_dim3A_1420, %reduce_sum3A_1432 [1] : vector<1x1024xf32> to vector<1xf32>
    %broadcast_in_dim3A_1434 = vector.shape_cast %reduce_sum3A_1433 : vector<1xf32> to vector<1x1xf32>
    %eq3A_1435 = arith.constant 0 : i32
    %eq3A_1436 = arith.cmpi eq, %arg0, %eq3A_1435 : i32
    %convert_element_type3A = arith.extui %eq3A_1436 : i1 to i32
    %cond3A = arith.constant 0 : i32
    %cond3A_1437 = arith.cmpi ne, %convert_element_type3A, %cond3A : i32
    scf.if %cond3A_1437 {
      %broadcast_in_dim3A_1445 = arith.constant 0.000000e+00 : f32
      %broadcast_in_dim3A_1446 = vector.broadcast %broadcast_in_dim3A_1445 : f32 to vector<1x1xf32>
      %swap3A_1447 = arith.constant 0 : index
      %swap3A_1448 = arith.constant 0 : index
      %swap3A_1449 = vector.load %arg4[%swap3A_1447, %swap3A_1448] : memref<1x1xf32, #tpu.memory_space<vmem>>, vector<1x1xf32>
      tpu.vector_store %arg4[%swap3A_1447, %swap3A_1448], %broadcast_in_dim3A_1446 {strides = array<i32>} : memref<1x1xf32, #tpu.memory_space<vmem>>, vector<1x1xf32>,
    } else {
    }
    %get3A_1438 = arith.constant 0 : index
    %get3A_1439 = arith.constant 0 : index
    %get3A_1440 = vector.load %arg4[%get3A_1438, %get3A_1439] : memref<1x1xf32, #tpu.memory_space<vmem>>, vector<1x1xf32>
    %add3A_1441 = arith.addf %get3A_1440, %broadcast_in_dim3A_1434 : vector<1x1xf32>
    %swap3A_1442 = arith.constant 0 : index
    %swap3A_1443 = arith.constant 0 : index
    %swap3A_1444 = vector.load %arg4[%swap3A_1442, %swap3A_1443] : memref<1x1xf32, #tpu.memory_space<vmem>>, vector<1x1xf32>
    tpu.vector_store %arg4[%swap3A_1442, %swap3A_1443], %add3A_1441 {strides = array<i32>} : memref<1x1xf32, #tpu.memory_space<vmem>>, vector<1x1xf32>,
    return
  }
  func.func @transform_0(%arg0: i32) -> (i32, i32, i32) {
    %jit3A = arith.constant 1 : i32
    %div3A = arith.divsi %arg0, %jit3A : i32
    %sign3A = arith.constant 0 : i32
    %sign3A_0 = arith.cmpi sgt, %arg0, %sign3A : i32
    %sign3A_1 = arith.extui %sign3A_0 : i1 to i32
    %sign3A_2 = arith.constant 0 : i32
    %sign3A_3 = arith.cmpi slt, %arg0, %sign3A_2 : i32
    %sign3A_4 = arith.extui %sign3A_3 : i1 to i32
    %sign3A_5 = arith.subi %sign3A_1, %sign3A_4 : i32
    %sign3A_6 = arith.constant 0 : i32
    %sign3A_7 = arith.cmpi sgt, %jit3A, %sign3A_6 : i32
    %sign3A_8 = arith.extui %sign3A_7 : i1 to i32
    %sign3A_9 = arith.constant 0 : i32
    %sign3A_10 = arith.cmpi slt, %jit3A, %sign3A_9 : i32
    %sign3A_11 = arith.extui %sign3A_10 : i1 to i32
    %sign3A_12 = arith.subi %sign3A_8, %sign3A_11 : i32
    %ne3A = arith.cmpi ne, %sign3A_5, %sign3A_12 : i32
    %rem3A = arith.remsi %arg0, %jit3A : i32
    %ne3A_13 = arith.constant 0 : i32
    %ne3A_14 = arith.cmpi ne, %rem3A, %ne3A_13 : i32
    %and3A = arith.andi %ne3A, %ne3A_14 : i1
    %sub3A = arith.constant 1 : i32
    %sub3A_15 = arith.subi %div3A, %sub3A : i32
    %select_n3A = arith.select %and3A, %sub3A_15, %div3A : i32
    %jit3A_16 = arith.constant 1 : i32
    %eq3A = arith.constant 0 : i32
    %eq3A_17 = arith.cmpi eq, %jit3A_16, %eq3A : i32
    %jit3A_18 = arith.constant 1 : i32
    %select_n3A_19 = arith.select %eq3A_17, %jit3A_18, %jit3A_16 : i32
    %rem3A_20 = arith.remsi %arg0, %select_n3A_19 : i32
    %ne3A_21 = arith.constant 0 : i32
    %ne3A_22 = arith.cmpi ne, %rem3A_20, %ne3A_21 : i32
    %lt3A = arith.constant 0 : i32
    %lt3A_23 = arith.cmpi slt, %rem3A_20, %lt3A : i32
    %lt3A_24 = arith.constant 0 : i32
    %lt3A_25 = arith.cmpi slt, %select_n3A_19, %lt3A_24 : i32
    %ne3A_26 = arith.xori %lt3A_23, %lt3A_25 : i1
    %and3A_27 = arith.andi %ne3A_26, %ne3A_22 : i1
    %add3A = arith.addi %rem3A_20, %select_n3A_19 : i32
    %select_n3A_28 = arith.select %and3A_27, %add3A, %rem3A_20 : i32
    %c0_i32 = arith.constant 0 : i32
    %c0_i32_29 = arith.constant 0 : i32
    return %select_n3A, %c0_i32, %select_n3A_28 : i32, i32, i32
  }
  func.func @transform_1(%arg0: i32) -> (i32, i32) {
    %c0_i32 = arith.constant 0 : i32
    %c0_i32_0 = arith.constant 0 : i32
    %c0_i32_1 = arith.constant 0 : i32
    return %c0_i32, %c0_i32_0 : i32, i32
  }
  func.func @transform_2(%arg0: i32) -> (i32, i32, i32) {
    %jit3A = arith.constant 1 : i32
    %div3A = arith.divsi %arg0, %jit3A : i32
    %sign3A = arith.constant 0 : i32
    %sign3A_0 = arith.cmpi sgt, %arg0, %sign3A : i32
    %sign3A_1 = arith.extui %sign3A_0 : i1 to i32
    %sign3A_2 = arith.constant 0 : i32
    %sign3A_3 = arith.cmpi slt, %arg0, %sign3A_2 : i32
    %sign3A_4 = arith.extui %sign3A_3 : i1 to i32
    %sign3A_5 = arith.subi %sign3A_1, %sign3A_4 : i32
    %sign3A_6 = arith.constant 0 : i32
    %sign3A_7 = arith.cmpi sgt, %jit3A, %sign3A_6 : i32
    %sign3A_8 = arith.extui %sign3A_7 : i1 to i32
    %sign3A_9 = arith.constant 0 : i32
    %sign3A_10 = arith.cmpi slt, %jit3A, %sign3A_9 : i32
    %sign3A_11 = arith.extui %sign3A_10 : i1 to i32
    %sign3A_12 = arith.subi %sign3A_8, %sign3A_11 : i32
    %ne3A = arith.cmpi ne, %sign3A_5, %sign3A_12 : i32
    %rem3A = arith.remsi %arg0, %jit3A : i32
    %ne3A_13 = arith.constant 0 : i32
    %ne3A_14 = arith.cmpi ne, %rem3A, %ne3A_13 : i32
    %and3A = arith.andi %ne3A, %ne3A_14 : i1
    %sub3A = arith.constant 1 : i32
    %sub3A_15 = arith.subi %div3A, %sub3A : i32
    %select_n3A = arith.select %and3A, %sub3A_15, %div3A : i32
    %jit3A_16 = arith.constant 1 : i32
    %eq3A = arith.constant 0 : i32
    %eq3A_17 = arith.cmpi eq, %jit3A_16, %eq3A : i32
    %jit3A_18 = arith.constant 1 : i32
    %select_n3A_19 = arith.select %eq3A_17, %jit3A_18, %jit3A_16 : i32
    %rem3A_20 = arith.remsi %arg0, %select_n3A_19 : i32
    %ne3A_21 = arith.constant 0 : i32
    %ne3A_22 = arith.cmpi ne, %rem3A_20, %ne3A_21 : i32
    %lt3A = arith.constant 0 : i32
    %lt3A_23 = arith.cmpi slt, %rem3A_20, %lt3A : i32
    %lt3A_24 = arith.constant 0 : i32
    %lt3A_25 = arith.cmpi slt, %select_n3A_19, %lt3A_24 : i32
    %ne3A_26 = arith.xori %lt3A_23, %lt3A_25 : i1
    %and3A_27 = arith.andi %ne3A_26, %ne3A_22 : i1
    %add3A = arith.addi %rem3A_20, %select_n3A_19 : i32
    %select_n3A_28 = arith.select %and3A_27, %add3A, %rem3A_20 : i32
    %c0_i32 = arith.constant 0 : i32
    %c0_i32_29 = arith.constant 0 : i32
    return %select_n3A, %c0_i32, %select_n3A_28 : i32, i32, i32
  }
  func.func @transform_3(%arg0: i32) -> (i32, i32) {
    %c0_i32 = arith.constant 0 : i32
    %c0_i32_0 = arith.constant 0 : i32
    %c0_i32_1 = arith.constant 0 : i32
    return %c0_i32, %c0_i32_0 : i32, i32
  }
}

</mosaic_0001>

<sc_bundles>
// kernel: kernel.5.cloned.1.call-start
scs
__scs_entry_jumppad:
0x0: {  	(pc) =	sbr.rel $0x88, $3  }
0x1: {  	(tag) =	ssettag $0x0;
	lr =	simm.s32 $0x1  }
0x2: {  	[smem:$0x3F9F] =	sst lr;
	_ =	strace $0xD0000000  }
0x3: {  	_ = 	snop  }
0x4: {  	_ = 	snop  }
0x5: {  	_ = 	snop  }
0x6: {  	_ = 	snop  }
0x7: {  	_ = 	snop  }
__scs_overlays_trampoline_lowered:
0x8: {  	[smem:$0x3FAE] =	sst s0  }
0x9: {  	[smem:$0x3FAF] =	sst s1  }
0xa: {  	[smem:$0x3FB0] =	sst s2  }
0xb: {  	[smem:$0x3FB1] =	sst s3  }
0xc: {  	[smem:$0x3FB2] =	sst s4  }
0xd: {  	[smem:$0x3FB3] =	sst s5  }
0xe: {  	[smem:$0x3FB4] =	sst s6  }
0xf: {  	[smem:$0x3FB5] =	sst s7  }
0x10: {  	[smem:$0x3FB6] =	sst s8  }
0x11: {  	[smem:$0x3FB7] =	sst s9;
	s0 =	simm.s32 @!p0 $0x0  }
0x12: {  	s1 =	sld [smem:$0x3F9D];
	s0 =	simm.s32 @p0 $0x1  }
0x13: {  	[smem:$0x3FB8] =	sst s0;
	s0 =	simm.s32 @!p1 $0x0  }
0x14: {  	s2 =	sld [smem:$0x3F9C];
	s0 =	simm.s32 @p1 $0x1  }
0x15: {  	[smem:$0x3FB9] =	sst s0;
	s0 =	simm.s32 @!p2 $0x0  }
0x16: {  	s3 =	sld [smem:$0x3FDB];
	s0 =	simm.s32 @p2 $0x1  }
0x17: {  	s4 =	simm.s32 $0x1BF5;
	[smem:$0x3FBB] =	sst s0  }
0x18: {  	s0 =	sld [smem:$0x3F9E];
	_ =	swait.ge [sflag:s4], $0x0  }
0x19: {  	s7 =	sld [smem:$0x3F9F]  }
0x1a: {  	s8 =	sadd.s32 $0xFFFFE003, lr  }
0x1b: {  	s9 =	sadd.s32 $0xFFFFFEF7, lr;
	s5 =	simm.s32 $0xFFFFFFFF;
	p2 =	slt.u32 s8, $0xFFFFF086  }
0x1c: {  	p1 =	slt.u32 s9, $0xF7A;
	s5 =	simm.s32 @!p2 $0x0  }
0x1d: {  	s5 =	simm.s32 @p1 $0x1;
	p0 =	seq.s32 s7, s2  }
0x1e: {  	s7 =	smul.u32 @!p0 $0xF7A, s2;
	p2 =	seq.s32 @!p0 s5, $0x0  }
0x1f: {  	s9 =	smul.u32 $0xF7A, s1;
	s8 =	simm.s32 @!p0 $0x1BF5;
	p2 =	por !p2, p0  }
0x20: {  	[sflag:s8] =	ssyncset.s32 @!p0 $0xFFFFF086;
	s6 =	sadd.s32 @!p0 s3, s7;
	s7 =	simm.s32 @!p0 $0x108  }
0x21: {  	s3 =	sadd.s32 s3, s9;
	s6 =	sadd.s32 @!p0 $0x88, s6;
	s7 =	simm.s32 @p2 $0x1082  }
0x22: {  	[simem:s7], [sflag:s8] =	dma.local @!p0 [hbm:s6], $0xF7A  }
0x23: {  	s9 =	sor.u32 $0xD0000000, s2;
	s6 =	simm.s32 $0x108;
	_ =	swait.ge @!p0 [sflag:s8], $0x0  }
0x24: {  	s3 =	sadd.s32 $0x88, s3;
	s6 =	simm.s32 @!p1 $0x1082;
	[sflag:s4] =	ssyncset.s32 $0xFFFFF086  }
0x25: {  	[simem:s6], [sflag:s4] =	dma.local [hbm:s3], $0xF7A  }
0x26: {  	[smem:$0x3F9F] =	sst s1;
	(tag) =	ssettag s2;
	_ =	strace s9  }
0x27: {  	s1 =	sld [smem:$0x3FAF]  }
0x28: {  	s2 =	sld [smem:$0x3FB0]  }
0x29: {  	s4 =	sld [smem:$0x3FB2]  }
0x2a: {  	p0 =	seq.s32 s5, $0x0;
	s5 =	sld [smem:$0x3FB3]  }
0x2b: {  	s6 =	sld [smem:$0x3FB4]  }
0x2c: {  	s7 =	sld [smem:$0x3FB5]  }
0x2d: {  	s3 =	simm.s32 $0x108;
	s8 =	sld [smem:$0x3FB6]  }
0x2e: {  	s3 =	simm.s32 @!p0 $0x1082;
	s9 =	sld [smem:$0x3FB7]  }
0x2f: {  	lr =	sadd.s32 s0, s3;
	s0 =	sld [smem:$0x3FAE]  }
0x30: {  	s3 =	sld [smem:$0x3FB1]  }
0x31: {  	[smem:$0x3FBA] =	sst s10  }
0x32: {  	s10 =	sld [smem:$0x3FB8];
	_ =	sdelay $0x3  }
0x33: {  	p0 =	seq.s32 s10, $0x1;
	s10 =	sld [smem:$0x3FBA];
	_ =	sdelay $0x3  }
0x34: {  	[smem:$0x3FBA] =	sst s10  }
0x35: {  	s10 =	sld [smem:$0x3FB9];
	_ =	sdelay $0x3  }
0x36: {  	p1 =	seq.s32 s10, $0x1;
	s10 =	sld [smem:$0x3FBA];
	_ =	sdelay $0x3  }
0x37: {  	[smem:$0x3FBA] =	sst s10  }
0x38: {  	s10 =	sld [smem:$0x3FBB]  }
0x39: {  	_ = 	snop;
	(pc) =	sbr.ind lr, $3  }
0x3a: {  	_ = 	snop  }
0x3b: {  	_ = 	snop  }
0x3c: {  	p2 =	seq.s32 s10, $0x1;
	s10 =	sld [smem:$0x3FBA]  }
0x3d: {  	_ =	shalt  }
0x3e: {  	_ =	shalt  }
0x3f: {  	_ =	shalt  }
0x40: {  	_ =	shalt  }
0x41: {  	_ =	shalt  }
0x42: {  	_ =	shalt  }
0x43: {  	_ =	shalt  }
0x44: {  	_ =	shalt  }
0x45: {  	_ =	shalt  }
0x46: {  	_ =	shalt  }
0x47: {  	_ =	shalt  }
0x48: {  	_ =	shalt  }
0x49: {  	_ =	shalt  }
0x4a: {  	_ =	shalt  }
0x4b: {  	_ =	shalt  }
0x4c: {  	_ =	shalt  }
0x4d: {  	_ =	shalt  }
0x4e: {  	_ =	shalt  }
0x4f: {  	_ =	shalt  }
0x50: {  	_ =	shalt  }
0x51: {  	_ =	shalt  }
0x52: {  	_ =	shalt  }
0x53: {  	_ =	shalt  }
0x54: {  	_ =	shalt  }
0x55: {  	_ =	shalt  }
0x56: {  	_ =	shalt  }
0x57: {  	_ =	shalt  }
0x58: {  	_ =	shalt  }
0x59: {  	_ =	shalt  }
0x5a: {  	_ =	shalt  }
0x5b: {  	_ =	shalt  }
0x5c: {  	_ =	shalt  }
0x5d: {  	_ =	shalt  }
0x5e: {  	_ =	shalt  }
0x5f: {  	_ =	shalt  }
0x60: {  	_ =	shalt  }
0x61: {  	_ =	shalt  }
0x62: {  	_ =	shalt  }
0x63: {  	_ =	shalt  }
0x64: {  	_ =	shalt  }
0x65: {  	_ =	shalt  }
0x66: {  	_ =	shalt  }
0x67: {  	_ =	shalt  }
0x68: {  	_ =	shalt  }
0x69: {  	_ =	shalt  }
0x6a: {  	_ =	shalt  }
0x6b: {  	_ =	shalt  }
0x6c: {  	_ =	shalt  }
0x6d: {  	_ =	shalt  }
0x6e: {  	_ =	shalt  }
0x6f: {  	_ =	shalt  }
0x70: {  	_ =	shalt  }
0x71: {  	_ =	shalt  }
0x72: {  	_ =	shalt  }
0x73: {  	_ =	shalt  }
0x74: {  	_ =	shalt  }
0x75: {  	_ =	shalt  }
0x76: {  	_ =	shalt  }
0x77: {  	_ =	shalt  }
0x78: {  	_ =	shalt  }
0x79: {  	_ =	shalt  }
0x7a: {  	_ =	shalt  }
0x7b: {  	_ =	shalt  }
0x7c: {  	_ =	shalt  }
0x7d: {  	_ =	shalt  }
0x7e: {  	_ =	shalt  }
0x7f: {  	_ =	shalt  }
0x80: {  	_ =	shalt  }
0x81: {  	_ =	shalt  }
0x82: {  	_ =	shalt  }
0x83: {  	_ =	shalt  }
0x84: {  	_ =	shalt  }
0x85: {  	_ =	shalt  }
0x86: {  	_ =	shalt  }
0x87: {  	_ =	shalt  }
.Lfunc_end0:
.L_simem_size_0:
called_computation_lowered:
.L_overlay_start_0:
0x88: {  	s2 =	sld [smem:$0x3FD9]  }
0x89: {  	s3 =	sld [smem:$0x3FFE];
	_ =	sdelay $0x1  }
0x8a: {  	s1 =	srdreg.scid  }
0x8b: {  	s0 =	sand.u32 $0x1, s1  }
0x8c: {  	s14 =	sshll.u32 s0, $0xA;
	s2 =	sadd.s32 s3, s2  }
0x8d: {  	s2 =	sadd.s32 s2, s14  }
0x8e: {  	[smem:$0x3FC6] =	sst s2  }
0x8f: {  	_ = 	snop  }
0x90: {  	s2 =	sld [smem:$0x3FD0];
	_ =	sdelay $0x2  }
0x91: {  	s15 =	simm.s32 $0xA;
	s4 =	simm.s32 $0x10  }
0x92: {  	[smem:s4], [sflag:s15] =	dma.local [hbm:s2], $0x1  }
0x93: {  	_ =	swait.eq [sflag:s15], $0x1  }
0x94: {  	[sflag:s15] =	ssyncset.done $0x0  }
0x95: {  	s16 =	sld [smem:$0x10];
	[sflag:s15] =	ssyncadd.s32 $0xFFFFFFFF  }
0x96: {  	s17 =	sld [smem:$0x12];
	(tm) =	ssettm $0x1  }
0x97: {  	s18 =	sld [smem:$0x3FFB];
	_ =	sdelay $0x3  }
0x98: {  	_ =	strace s18  }
0x99: {  	s4 =	sld [smem:$0x3FFC];
	_ =	sdelay $0x3  }
0x9a: {  	_ =	strace s4  }
0x9b: {  	s4 =	sld [smem:$0x3FFD];
	_ =	sdelay $0x3  }
0x9c: {  	_ =	strace s4  }
0x9d: {  	_ =	strace $0x8FFFFFFF  }
0x9e: {  	s19 =	sld [smem:$0x3FDB];
	_ =	sdelay $0x1  }
0x9f: {  	s5 =	simm.s32 $_scs_section_size  }
0xa0: {  	s6 =	simm.s32 $_size__tile_overlayer_lowered;
	s7 =	simm.s32 $_tile_overlayer_lowered  }
0xa1: {  	s22 =	simm.s32 $0x1BFF;
	s21 =	sshll.u32 s7, $0x1;
	s4 =	sadd.s32 s5, s19  }
0xa2: {  	s8 =	simm.s32 $0x0;
	s20 =	sshll.u32 s6, $0x1;
	s6 =	sadd.s32 s21, s4  }
0xa3: {  	[timem:s8], [sflag:s22] =	dma.local [hbm:s6], s20  }
0xa4: {  	_ =	swait.ge [sflag:s22], s20  }
0xa5: {  	s5 =	ssub.s32 $0x0, s20;
	[sflag:s22] =	ssyncset.done $0x0  }
0xa6: {  	[sflag:s22] =	ssyncadd.s32 s5;
	_ =	sdelay $0x1  }
0xa7: {  	s23 =	simm.s32 $0x1B8B  }
0xa8: {  	_ =	swait.ge [sflag:s23], $0x1  }
0xa9: {  	[sflag:s23] =	ssyncset.done $0x0  }
0xaa: {  	s25 =	simm.s32 $0x1B8E;
	s24 =	sld [smem:$0x3FFE];
	[sflag:s23] =	ssyncadd.s32 $0xFFFFFFFF  }
0xab: {  	s26 =	simm.s32 $execute0_lowered;
	[smem:$0x3FD2] =	sst s25  }
0xac: {  	s6 =	sshll.u32 s26, $0x1;
	_ =	strace $0x80000046;
	[dreg:$0x1] =	wrdreg $0xFFFFFFFF  }
0xad: {  	s28 =	simm.s32 $_size_execute0_lowered;
	s4 =	sadd.s32 s4, s6;
	[dreg:$0x0] =	wrdreg $0x0  }
0xae: {  	s6 =	sshll.u32 s28, $0x1;
	[dreg:$0x2] =	wrdreg s4  }
0xaf: {  	[dreg:$0x3] =	wrdreg s6  }
0xb0: {  	[dreg:$0x4] =	wrdreg $0xC0  }
0xb1: {  	_ =	task [dreg:s8], $0x5FFFF  }
0xb2: {  	[dreg:$0x1] =	wrdreg $0xFFFFFFFF  }
0xb3: {  	[dreg:$0x0] =	wrdreg $0x60  }
0xb4: {  	[dreg:$0x2] =	wrdreg s16  }
0xb5: {  	[dreg:$0x3] =	wrdreg s17  }
0xb6: {  	[dreg:$0x4] =	wrdreg s24  }
0xb7: {  	[dreg:$0x5] =	wrdreg $0x9  }
0xb8: {  	_ =	task.clear_ibuf [dreg:s8], $0x6FFFF;
	_ =	strace $0x90000046  }
0xb9: {  	s29 =	simm.s32 $0x9;
	_ =	strace $0x80000048  }
0xba: {  	_ =	swait.ge [sflag:s29], $0x1  }
0xbb: {  	[sflag:s29] =	ssyncadd.s32 $0xFFFFFFFF  }
0xbc: {  	_ =	strace $0x90000048  }
0xbd: {  	_ =	sfence  }
0xbe: {  	s30 =	sld [smem:$0x0];
	_ =	sdelay $0x2  }
0xbf: {  	s31 =	sshll.u32 s1, $0xD;
	s1 =	sshrl.u32 s1, $0x2  }
0xc0: {  	s3 =	sand.u32 $0x4000, s31;
	s1 =	sadd.s32 s1, s30  }
0xc1: {  	s0 =	sor.u32 s3, s0;
	s1 =	sshll.u32 s1, $0x11  }
0xc2: {  	s0 =	sor.u32 s1, s0  }
0xc3: {  	s0 =	sadd.s32 $0x8F2B, s0  }
0xc4: {  	[sflag:s0] =	ssyncadd.remote.s32 $0x1  }
0xc5: {  	_ =	sfence.sel $0xFFFF  }
0xc6: {  	[dreg:$0x0] =	wrdreg $0xFFFFFFFF;
	(pc) =	sbr.abs _section_cstart, $3  }
0xc7: {  	[dreg:$0x1] =	wrdreg $0xFFFFFFFF  }
0xc8: {  	_ =	task.clear_ibuf [dreg:s8], $0x2FFFF;
	_ =	strace $0x9FFFFFFF  }
0xc9: {  	(tm) =	ssettm $0x7FFFFFFF  }
tec
execute0_lowered:
.L_overlay_start_1:
0x0: {  	(tag) =	ssettag $0x1  }
0x1: {  	s1 =	rddreg [dreg:$0x0];
	s2 =	srdreg.scid  }
0x2: {  	s4 =	rddreg [dreg:$0x1];
	s0 =	stileid.u32  }
0x3: {  	s8 =	rddreg [dreg:$0x2];
	s3 =	simm.s32 $0x0;
	s6 =	sand.u32 $0x1, s2  }
0x4: {  	s5 =	sshll.u32 s0, $0xA;
	s2 =	rddreg [dreg:$0x3];
	s7 =	sshll.u32 s6, $0x9  }
0x5: {  	[smem:$0x7FF] =	sst s3;
	s9 =	sor.u32 s7, s5  }
0x6: {  	_ =	strace $0x80000047;
	s10 =	ssub.s32 $0x2, s6;
	s5 =	sshrl.u32 s9, $0x3  }
0x7: {  	s6 =	simm.s32 $0x200;
	s5 =	sadd.s32 s4, s5;
	s4 =	simm.s32 $0x2  }
0x8: {  	[tilespmem:s3], [sflag:$0x2] =	stream.linear.gather [hbm4b:s5+s3], $0x200, $0x38;
	[tilespmem:$0x10200] =	vst v63  }
0x9: {  	s7 =	simm.s32 $0x1;
	s11 =	sshrl.u32 s10, $0x1;
	_ =	swait.ge [sflag:s4], $0x200  }
0xa: {  	s9 =	sshll.u32 s9, $0x4;
	s31 =	ssub.s32 s10, s11;
	[sflag:s4] =	ssyncset.done $0x0  }
0xb: {  	s8 =	sadd.s32 s9, s8;
	s9 =	smax.u32 s31, $0x1;
	[sflag:s4] =	ssyncadd.s32 $0xFFFFFE00  }
0xc: {  	[tilespmem:s6], [sflag:$0x1] =	stream.indirect.gather [hbm4b:s1+s6], $0x80, s3, s6, $0xb8;
	[tilespmem:$0x10200] =	vst v63  }
0xd: {  	p0 =	sne.s32 s9, $0x1;
	_ =	swait.ge [sflag:s7], $0x10000  }
.Ltmp0:
0xe: {  	[sflag:s7] =	ssyncset.done $0x0;
	(pc) =	sbr.rel @!p0 .LBB2_2-.Ltmp0, $4  }
0xf: {  	s8 =	sadd.s32 $0xC00, s8;
	[sflag:s7] =	ssyncadd.s32 $0xFFFF0000  }
0x10: {  	[hbm4b:s8+s3] =	stream.linear.scatter [tilespmem:s6], [sflag:$0x2], $0x10000, $0x38;
	[tilespmem:$0x10200] =	vst v63  }
0x11: {  	_ =	swait.ge [sflag:s4], $0x10000  }
0x12: {  	s9 =	sadd.s32 $0xFFFFFFFF, s9;
	[sflag:s4] =	ssyncset.done $0x0  }
.LBB2_1:
0x13: {  	p0 =	sne.s32 s9, $0x1;
	s9 =	sadd.s32 $0xFFFFFFFF, s9;
	[sflag:s4] =	ssyncadd.s32 $0xFFFF0000  }
0x14: {  	[tilespmem:s3], [sflag:$0x2] =	stream.linear.gather [hbm4b:s5+s3], $0x200, $0x38;
	[tilespmem:$0x10200] =	vst v63  }
0x15: {  	_ =	swait.ge [sflag:s4], $0x200  }
0x16: {  	[sflag:s4] =	ssyncset.done $0x0  }
0x17: {  	[sflag:s4] =	ssyncadd.s32 $0xFFFFFE00  }
0x18: {  	[tilespmem:s6], [sflag:$0x1] =	stream.indirect.gather [hbm4b:s1+s6], $0x80, s3, s6, $0xb8;
	[tilespmem:$0x10200] =	vst v63  }
0x19: {  	_ =	swait.ge [sflag:s7], $0x10000  }
.Ltmp1:
0x1a: {  	[sflag:s7] =	ssyncset.done $0x0;
	(pc) =	sbr.rel @p0 .LBB2_1-.Ltmp1, $4  }
0x1b: {  	[sflag:s7] =	ssyncadd.s32 $0xFFFF0000  }
0x1c: {  	[hbm4b:s8+s3] =	stream.linear.scatter [tilespmem:s6], [sflag:$0x2], $0x10000, $0x38;
	[tilespmem:$0x10200] =	vst v63  }
0x1d: {  	_ =	swait.ge [sflag:s4], $0x10000  }
0x1e: {  	[sflag:s4] =	ssyncset.done $0x0  }
.LBB2_2:
0x1f: {  	[sflag:s4] =	ssyncadd.s32 $0xFFFF0000  }
0x20: {  	_ =	sfence.sel $0x180000  }
0x21: {  	[bflag:$0x0] =	sbarrier.arrive $0xFFFF  }
0x22: {  	p0 =	sne.s32 s0, $0x0;
	_ =	strace $0x90000047  }
0x23: {  	s0 =	sadd.s32 @!p0 $0x100000, s2;
	[bflag:$0x2] =	sbarrier.arrive $0xFFFF  }
0x24: {  	[sflag:s0] =	ssyncadd.tile.s32 @!p0 $0x1;
	_ =	shalt  }
.Lfunc_end2:
_tile_overlayer_lowered:
.L_overlay_start_2:
0x25: {  	(tag) =	ssettag $0x2  }
0x26: {  	s0 =	rddreg [dreg:$0x0];
	s2 =	stileid.u32  }
0x27: {  	s1 =	rddreg [dreg:$0x1];
	p0 =	sne.s32 s2, $0x0  }
0x28: {  	s3 =	rddreg [dreg:$0x2];
	[bflag:$0x3] =	sbarrier.arrive $0xFFFF;
	s2 =	simm.s32 @!p0 $0x1C02  }
0x29: {  	[timem:s3], [sflag:s2] =	dma.local @!p0 [hbm:s0], s1  }
0x2a: {  	s0 =	simm.s32 @!p0 $0x2  }
0x2b: {  	_ =	swait.ge @!p0 [sflag:s0], s1  }
0x2c: {  	s1 =	ssub.s32 @!p0 $0x0, s1;
	[sflag:s0] =	ssyncset.done @!p0 $0x0  }
0x2d: {  	[sflag:s0] =	ssyncadd.s32 @!p0 s1  }
0x2e: {  	[bflag:$0x3] =	sbarrier.arrive $0xFFFF  }
0x2f: {  	_ =	shalt  }

</sc_bundles>
